<compile_context>
chip_gen: v7x
topology: tpu7x:2x2x1
jax: 0.10.2.dev20260603
libtpu: 0.0.44.dev20260713+nightly
codegen_flags: <defaults>
</compile_context>

<pallas_src>
import functools

import jax
import jax.numpy as jnp
from jax import lax
from jax.experimental import pallas as pl
from jax.experimental.pallas import tpu as pltpu
from jax.experimental.pallas import tpu_sc as plsc

_N = 10000
_E = 160000
_D = 256
_C = 64
_NC = 2
_NS = 16
_CH = 128
_EP = 163840
_NP = 10240
_R = 2000


@functools.cache
def _sc_kernels():
    mesh = plsc.VectorSubcoreMesh(core_axis_name="c", subcore_axis_name="s",
                                  num_cores=_NC, num_subcores=_NS)
    deg_k = functools.partial(
        pl.kernel,
        out_type=[jax.ShapeDtypeStruct((_NC * _NP,), jnp.float32),
                  jax.ShapeDtypeStruct((_EP // _CH, _CH), jnp.int32)],
        mesh=mesh,
        scratch_types=[
            pltpu.VMEM((640,), jnp.float32),
            pltpu.VMEM((128,), jnp.float32),
            pltpu.VMEM((40, _CH), jnp.int32),
            pltpu.VMEM((40, _CH), jnp.int32),
            pltpu.VMEM_SHARED((_NP,), jnp.float32),
        ],
    )(_deg_body)
    agg_k = functools.partial(
        pl.kernel,
        out_type=jax.ShapeDtypeStruct((_NC, _N, 128), jnp.float32),
        mesh=mesh,
        scratch_types=[
            pltpu.VMEM((80, _CH), jnp.int32),
            pltpu.VMEM((2, _CH), jnp.int32),
            pltpu.VMEM((2, _CH), jnp.int32),
            pltpu.VMEM((2, _CH, 128), jnp.float32),
            pltpu.VMEM_SHARED((_NP, 128), jnp.float32),
            pltpu.SemaphoreType.DMA,
            pltpu.SemaphoreType.DMA,
        ],
    )(_agg_body)
    return deg_k, agg_k


def _deg_body(src_hbm, dst_hbm, out_hbm, pk_hbm, zv, ones_v, dl, sl, deg_sh):
    c = lax.axis_index("c")
    s = lax.axis_index("s")
    w = c * _NS + s

    pltpu.sync_copy(dst_hbm.at[pl.ds(w * 40, 40)], dl)
    pltpu.sync_copy(src_hbm.at[pl.ds(w * 40, 40)], sl)

    def _zed(i, _):
        zv[pl.ds(i * 16, 16)] = jnp.zeros((16,), jnp.float32)
        return 0
    lax.fori_loop(0, 40, _zed, 0)

    def _one(i, _):
        ones_v[pl.ds(i * 16, 16)] = jnp.ones((16,), jnp.float32)
        return 0
    lax.fori_loop(0, 8, _one, 0)

    pltpu.sync_copy(zv, deg_sh.at[pl.ds(s * 640, 640)])
    plsc.subcore_barrier()

    def _body(k, _):
        pltpu.sync_copy(ones_v, deg_sh.at[dl.at[k]], add=True)
        for i in range(8):
            lane = pl.ds(i * 16, 16)
            dl[k, lane] = (dl[k, lane] << 16) | sl[k, lane]
        return 0
    lax.fori_loop(0, 40, _body, 0)
    pltpu.sync_copy(dl, pk_hbm.at[pl.ds(w * 40, 40)])

    plsc.subcore_barrier()
    pltpu.sync_copy(deg_sh.at[pl.ds(s * 640, 640)],
                    out_hbm.at[pl.ds(c * _NP + s * 640, 640)])


def _agg_body(h2_hbm, pk_hbm, out_hbm, pk, sidx, didx, rows,
              agg_sh, gsem0, gsem1):
    c = lax.axis_index("c")
    s = lax.axis_index("s")
    off = c * _N
    gsems = (gsem0, gsem1)

    pltpu.sync_copy(pk_hbm.at[pl.ds(s * 80, 80)], pk)

    @pl.when(s < 15)
    def _():
        pltpu.sync_copy(h2_hbm.at[pl.ds(off + s * 640, 640)],
                        agg_sh.at[pl.ds(s * 640, 640)])

    @pl.when(s == 15)
    def _():
        pltpu.sync_copy(h2_hbm.at[pl.ds(off + 9600, 400)],
                        agg_sh.at[pl.ds(9600, 400)])
    plsc.subcore_barrier()

    def _unpack_fire(k, b):
        for i in range(8):
            v = pk[k, pl.ds(i * 16, 16)]
            didx[b, pl.ds(i * 16, 16)] = lax.shift_right_logical(v, 16)
            sidx[b, pl.ds(i * 16, 16)] = (v & 0xFFFF) + off
        pltpu.async_copy(h2_hbm.at[sidx.at[b]], rows.at[b], gsems[b])

    _unpack_fire(0, 0)
    _unpack_fire(1, 1)

    def _body(k, _):
        for b in range(2):
            ck = 2 * k + b
            pltpu.make_async_copy(h2_hbm.at[sidx.at[b]], rows.at[b],
                                  gsems[b]).wait()
            pltpu.sync_copy(rows.at[b], agg_sh.at[didx.at[b]], add=True)

            @pl.when(ck + 2 < 80)
            def _():
                _unpack_fire(ck + 2, b)
        return 0
    lax.fori_loop(0, 40, _body, 0)

    plsc.subcore_barrier()

    @pl.when(s < 15)
    def _():
        pltpu.sync_copy(agg_sh.at[pl.ds(s * 640, 640)],
                        out_hbm.at[c, pl.ds(s * 640, 640)])

    @pl.when(s == 15)
    def _():
        pltpu.sync_copy(agg_sh.at[pl.ds(9600, 400)],
                        out_hbm.at[c, pl.ds(9600, 400)])


def _h2_body(x_ref, w_ref, p01_ref, out_ref):
    h = jnp.dot(x_ref[...].astype(jnp.bfloat16),
                w_ref[...].astype(jnp.bfloat16),
                preferred_element_type=jnp.float32)
    dinv = lax.rsqrt(1.0 + p01_ref[:, 0:1] + p01_ref[:, 1:2])
    out_ref[0] = h[:, 0:128] * dinv
    out_ref[1] = h[:, 128:256] * dinv


_h2_call = pl.pallas_call(
    _h2_body,
    grid=(_N // _R,),
    in_specs=[
        pl.BlockSpec((_R, _D), lambda i: (i, 0)),
        pl.BlockSpec((_D, _D), lambda i: (0, 0)),
        pl.BlockSpec((_R, 2), lambda i: (i, 0)),
    ],
    out_specs=pl.BlockSpec((_NC, _R, 128), lambda i: (0, i, 0)),
    out_shape=jax.ShapeDtypeStruct((2, _N, 128), jnp.float32),
)


def _cls_body(agg_ref, p01_ref, wc_ref, bc_ref, bk_ref, out_ref):
    dinv = lax.rsqrt(1.0 + p01_ref[:, 0:1] + p01_ref[:, 1:2])
    e0 = agg_ref[0] * dinv + bc_ref[0:1, 0:128]
    e1 = agg_ref[1] * dinv + bc_ref[0:1, 128:256]
    out_ref[...] = (
        jnp.dot(e0, wc_ref[0:128, :], preferred_element_type=jnp.float32)
        + jnp.dot(e1, wc_ref[128:256, :], preferred_element_type=jnp.float32)
        + bk_ref[...])


_cls_call = pl.pallas_call(
    _cls_body,
    grid=(_N // _R,),
    in_specs=[
        pl.BlockSpec((_NC, _R, 128), lambda i: (0, i, 0)),
        pl.BlockSpec((_R, 2), lambda i: (i, 0)),
        pl.BlockSpec((_D, _C), lambda i: (0, 0)),
        pl.BlockSpec((1, _D), lambda i: (0, 0)),
        pl.BlockSpec((1, _C), lambda i: (0, 0)),
    ],
    out_specs=pl.BlockSpec((_R, _C), lambda i: (i, 0)),
    out_shape=jax.ShapeDtypeStruct((_N, _C), jnp.float32),
)


def kernel(x, edge_index, W_conv, b_conv, W_cls, b_cls):
    src = edge_index[0]
    dst = edge_index[1]
    pad = _EP - _E
    pr = jnp.arange(pad, dtype=jnp.int32)
    src_p = jnp.concatenate([src, pr % _N]).reshape(_EP // _CH, _CH)
    dst_p = jnp.concatenate([dst, _N + pr % (_NP - _N)]).reshape(
        _EP // _CH, _CH)
    deg_k, agg_k = _sc_kernels()
    degraw, pk = deg_k(src_p, dst_p)
    p01 = jnp.stack([degraw[:_N], degraw[_NP:_NP + _N]], axis=1)
    h2 = _h2_call(x, W_conv, p01)
    agg = agg_k(h2.reshape(_NC * _N, 128), pk)
    logits = _cls_call(agg, p01, W_cls,
                       b_conv.reshape(1, _D), b_cls.reshape(1, _C))
    return logits

# --- scband reference (transcript-rebuilt; emitter-appended) ---
"""Pipeline reference for scband-graph-neural-network-19421842113217 (READ-ONLY COPY).

The authoritative reference and input builder live on the scoring server;
editing this copy changes nothing except your own understanding.
"""

import jax, jax.numpy as jnp
import numpy as np

N = 10000
E = 160000
D = 256
C = 64

def setup_inputs(seed: int = 0) -> dict:
    key = jax.random.key(seed)
    k1, k2, k3, k4 = jax.random.split(key, 4)
    x = jax.random.normal(k1, (N, D), dtype=jnp.float32)
    edge_index = jax.random.randint(k2, (2, E), 0, N, dtype=jnp.int32)
    # GCNConv weight (glorot-ish) and bias
    W_conv = jax.random.normal(k3, (D, D), dtype=jnp.float32) * (1.0 / np.sqrt(D))
    b_conv = jnp.zeros((D,), dtype=jnp.float32)
    # classifier Linear(D, C)
    W_cls = jax.random.normal(k4, (D, C), dtype=jnp.float32) * (1.0 / np.sqrt(D))
    b_cls = jnp.zeros((C,), dtype=jnp.float32)
    return {"x": x, "edge_index": edge_index, "W_conv": W_conv, "b_conv": b_conv, "W_cls": W_cls, "b_cls": b_cls}

def reference(x, edge_index, W_conv, b_conv, W_cls, b_cls):
    n = x.shape[0]
    src = edge_index[0]
    dst = edge_index[1]
    # GCNConv: add self-loops
    loop = jnp.arange(n, dtype=edge_index.dtype)
    src = jnp.concatenate([src, loop])
    dst = jnp.concatenate([dst, loop])
    # symmetric normalization D^{-1/2} A_hat D^{-1/2}
    deg = jnp.zeros((n,), dtype=x.dtype).at[dst].add(1.0)
    dinv = jnp.where(deg > 0, deg ** -0.5, 0.0)
    norm = dinv[src] * dinv[dst]
    # linear transform then message passing (gather -> scale -> scatter-add)
    h = x @ W_conv
    msg = h[src] * norm[:, None]
    agg = jax.ops.segment_sum(msg, dst, num_segments=n)
    emb = agg + b_conv
    # classifier
    logits = emb @ W_cls + b_cls
    return logits

if __name__ == "__main__":
    import jax
    _d = setup_inputs()
    print(jax.jit(kernel)(*tuple(_d.values())))

</pallas_src>

<mosaic_0001>
#map = affine_map<(d0, d1) -> (0, 0)>
#map1 = affine_map<(d0, d1) -> (0)>
module attributes {stable_mosaic.version = 14 : i64} {
  func.func @_deg_body(%arg0: i32, %arg1: i32, %arg2: memref<1280x128xi32, #tpu.memory_space<hbm>>, %arg3: memref<1280x128xi32, #tpu.memory_space<hbm>>, %arg4: memref<20480xf32, #tpu.memory_space<hbm>>, %arg5: memref<1280x128xi32, #tpu.memory_space<hbm>>, %arg6: memref<640xf32, #tpu.memory_space<vmem>>, %arg7: memref<128xf32, #tpu.memory_space<vmem>>, %arg8: memref<40x128xi32, #tpu.memory_space<vmem>>, %arg9: memref<40x128xi32, #tpu.memory_space<vmem>>, %arg10: memref<10240xf32, #tpu.memory_space<vmem_shared>>) attributes {dimension_semantics = [#tpu.dimension_semantics<core_parallel>, #tpu.dimension_semantics<subcore_parallel>], iteration_bounds = array<i64: 2, 16>, scalar_prefetch = 0 : i64, scratch_operands = 5 : i64, tpu.core_type = #tpu.core_type<sc_vector_subcore>, window_params = [{transform_indices = #map}, {transform_indices = #map}, {transform_indices = #map1}, {transform_indices = #map}]} {
    %mul3A = arith.constant 16 : i32
    %mul3A_0 = arith.muli %arg0, %mul3A : i32
    %add3A = arith.addi %mul3A_0, %arg1 : i32
    %mul3A_1 = arith.constant 40 : i32
    %mul3A_2 = arith.muli %add3A, %mul3A_1 : i32
    "tpu.region"() ({
      %run_scoped3A = tpu.sem_alloc : memref<!tpu.dma_semaphore, #tpu.memory_space<semaphore_mem>>
      %dma_start3A = arith.constant 0 : i32
      %dma_start3A_37 = tpu.memref_slice %arg3[%mul3A_2, %dma_start3A] : memref<1280x128xi32, #tpu.memory_space<hbm>> -> memref<40x128xi32, #tpu.memory_space<hbm>>
      %dma_start3A_38 = arith.constant 0 : i32
      %dma_start3A_39 = tpu.memref_slice %arg3[%mul3A_2, %dma_start3A_38] : memref<1280x128xi32, #tpu.memory_space<hbm>> -> memref<40x128xi32, #tpu.memory_space<hbm>>
      tpu.enqueue_dma source(%dma_start3A_39 : memref<40x128xi32, #tpu.memory_space<hbm>>) target(%arg8 : memref<40x128xi32, #tpu.memory_space<vmem>>) target_semaphore(%run_scoped3A : memref<!tpu.dma_semaphore, #tpu.memory_space<semaphore_mem>>)
      %dma_wait3A = arith.constant 0 : i32
      %dma_wait3A_40 = tpu.memref_slice %arg3[%mul3A_2, %dma_wait3A] : memref<1280x128xi32, #tpu.memory_space<hbm>> -> memref<40x128xi32, #tpu.memory_space<hbm>>
      %dma_wait3A_41 = arith.constant 0 : i32
      %dma_wait3A_42 = tpu.memref_slice %arg3[%mul3A_2, %dma_wait3A_41] : memref<1280x128xi32, #tpu.memory_space<hbm>> -> memref<40x128xi32, #tpu.memory_space<hbm>>
      tpu.wait_dma2 semaphore(%run_scoped3A : memref<!tpu.dma_semaphore, #tpu.memory_space<semaphore_mem>>) src(%dma_wait3A_42 : memref<40x128xi32, #tpu.memory_space<hbm>>) dst(%arg8 : memref<40x128xi32, #tpu.memory_space<vmem>>)
      tpu.yield
    }) : () -> ()
    %mul3A_3 = arith.constant 40 : i32
    %mul3A_4 = arith.muli %add3A, %mul3A_3 : i32
    "tpu.region"() ({
      %run_scoped3A = tpu.sem_alloc : memref<!tpu.dma_semaphore, #tpu.memory_space<semaphore_mem>>
      %dma_start3A = arith.constant 0 : i32
      %dma_start3A_37 = tpu.memref_slice %arg2[%mul3A_4, %dma_start3A] : memref<1280x128xi32, #tpu.memory_space<hbm>> -> memref<40x128xi32, #tpu.memory_space<hbm>>
      %dma_start3A_38 = arith.constant 0 : i32
      %dma_start3A_39 = tpu.memref_slice %arg2[%mul3A_4, %dma_start3A_38] : memref<1280x128xi32, #tpu.memory_space<hbm>> -> memref<40x128xi32, #tpu.memory_space<hbm>>
      tpu.enqueue_dma source(%dma_start3A_39 : memref<40x128xi32, #tpu.memory_space<hbm>>) target(%arg9 : memref<40x128xi32, #tpu.memory_space<vmem>>) target_semaphore(%run_scoped3A : memref<!tpu.dma_semaphore, #tpu.memory_space<semaphore_mem>>)
      %dma_wait3A = arith.constant 0 : i32
      %dma_wait3A_40 = tpu.memref_slice %arg2[%mul3A_4, %dma_wait3A] : memref<1280x128xi32, #tpu.memory_space<hbm>> -> memref<40x128xi32, #tpu.memory_space<hbm>>
      %dma_wait3A_41 = arith.constant 0 : i32
      %dma_wait3A_42 = tpu.memref_slice %arg2[%mul3A_4, %dma_wait3A_41] : memref<1280x128xi32, #tpu.memory_space<hbm>> -> memref<40x128xi32, #tpu.memory_space<hbm>>
      tpu.wait_dma2 semaphore(%run_scoped3A : memref<!tpu.dma_semaphore, #tpu.memory_space<semaphore_mem>>) src(%dma_wait3A_42 : memref<40x128xi32, #tpu.memory_space<hbm>>) dst(%arg9 : memref<40x128xi32, #tpu.memory_space<vmem>>)
      tpu.yield
    }) : () -> ()
    %scan3A = arith.constant 0 : i32
    %scan3A_5 = arith.constant 0 : i32
    %scan3A_6 = arith.constant 40 : i32
    %scan3A_7 = arith.addi %scan3A_5, %scan3A_6 : i32
    %scan3A_8 = arith.constant 1 : i32
    %scan3A_9 = scf.for %scan3A_37 = %scan3A_5 to %scan3A_7 step %scan3A_8 iter_args(%scan3A_38 = %scan3A) -> (i32)  : i32 {
      %broadcast_in_dim3A = arith.constant 0.000000e+00 : f32
      %broadcast_in_dim3A_39 = vector.broadcast %broadcast_in_dim3A : f32 to vector<16xf32>
      %mul3A_40 = arith.constant 16 : i32
      %mul3A_41 = arith.muli %scan3A_37, %mul3A_40 : i32
      %swap3A = arith.index_cast %mul3A_41 : i32 to index
      %swap3A_42 = tpu.vector_load %arg6[%swap3A] {strides = array<i32>} : memref<640xf32, #tpu.memory_space<vmem>>, vector<16xf32>,
      %swap3A_43 = vector.shape_cast %swap3A_42 : vector<16xf32> to vector<16xf32>
      %swap3A_44 = vector.shape_cast %broadcast_in_dim3A_39 : vector<16xf32> to vector<16xf32>
      tpu.vector_store %arg6[%swap3A], %swap3A_44 {strides = array<i32>} : memref<640xf32, #tpu.memory_space<vmem>>, vector<16xf32>,
      %scan3A_45 = arith.constant 0 : i32
      scf.yield %scan3A_45 : i32
    }
    %scan3A_10 = arith.constant 40 : i32
    %scan3A_11 = arith.constant 0 : i32
    %scan3A_12 = arith.constant 0 : i32
    %scan3A_13 = arith.constant 8 : i32
    %scan3A_14 = arith.addi %scan3A_12, %scan3A_13 : i32
    %scan3A_15 = arith.constant 1 : i32
    %scan3A_16 = scf.for %scan3A_37 = %scan3A_12 to %scan3A_14 step %scan3A_15 iter_args(%scan3A_38 = %scan3A_11) -> (i32)  : i32 {
      %broadcast_in_dim3A = arith.constant 1.000000e+00 : f32
      %broadcast_in_dim3A_39 = vector.broadcast %broadcast_in_dim3A : f32 to vector<16xf32>
      %mul3A_40 = arith.constant 16 : i32
      %mul3A_41 = arith.muli %scan3A_37, %mul3A_40 : i32
      %swap3A = arith.index_cast %mul3A_41 : i32 to index
      %swap3A_42 = tpu.vector_load %arg7[%swap3A] {strides = array<i32>} : memref<128xf32, #tpu.memory_space<vmem>>, vector<16xf32>,
      %swap3A_43 = vector.shape_cast %swap3A_42 : vector<16xf32> to vector<16xf32>
      %swap3A_44 = vector.shape_cast %broadcast_in_dim3A_39 : vector<16xf32> to vector<16xf32>
      tpu.vector_store %arg7[%swap3A], %swap3A_44 {strides = array<i32>} : memref<128xf32, #tpu.memory_space<vmem>>, vector<16xf32>,
      %scan3A_45 = arith.constant 0 : i32
      scf.yield %scan3A_45 : i32
    }
    %scan3A_17 = arith.constant 8 : i32
    %mul3A_18 = arith.constant 640 : i32
    %mul3A_19 = arith.muli %arg1, %mul3A_18 : i32
    "tpu.region"() ({
      %run_scoped3A = tpu.sem_alloc : memref<!tpu.dma_semaphore, #tpu.memory_space<semaphore_mem>>
      %dma_start3A = tpu.memref_slice %arg10[%mul3A_19] : memref<10240xf32, #tpu.memory_space<vmem_shared>> -> memref<640xf32, #tpu.memory_space<vmem_shared>>
      %dma_start3A_37 = tpu.memref_slice %arg10[%mul3A_19] : memref<10240xf32, #tpu.memory_space<vmem_shared>> -> memref<640xf32, #tpu.memory_space<vmem_shared>>
      tpu.enqueue_dma source(%arg6 : memref<640xf32, #tpu.memory_space<vmem>>) target(%dma_start3A_37 : memref<640xf32, #tpu.memory_space<vmem_shared>>) target_semaphore(%run_scoped3A : memref<!tpu.dma_semaphore, #tpu.memory_space<semaphore_mem>>)
      %dma_wait3A = tpu.memref_slice %arg10[%mul3A_19] : memref<10240xf32, #tpu.memory_space<vmem_shared>> -> memref<640xf32, #tpu.memory_space<vmem_shared>>
      %dma_wait3A_38 = tpu.memref_slice %arg10[%mul3A_19] : memref<10240xf32, #tpu.memory_space<vmem_shared>> -> memref<640xf32, #tpu.memory_space<vmem_shared>>
      tpu.wait_dma2 semaphore(%run_scoped3A : memref<!tpu.dma_semaphore, #tpu.memory_space<semaphore_mem>>) src(%arg6 : memref<640xf32, #tpu.memory_space<vmem>>) dst(%dma_wait3A_38 : memref<640xf32, #tpu.memory_space<vmem_shared>>)
      tpu.yield
    }) : () -> ()
    %barrier3A = arith.constant 0 : index
    tpu.barrier barrier_id(%barrier3A)
    %scan3A_20 = arith.constant 0 : i32
    %scan3A_21 = arith.constant 0 : i32
    %scan3A_22 = arith.constant 40 : i32
    %scan3A_23 = arith.addi %scan3A_21, %scan3A_22 : i32
    %scan3A_24 = arith.constant 1 : i32
    %scan3A_25 = scf.for %scan3A_37 = %scan3A_21 to %scan3A_23 step %scan3A_24 iter_args(%scan3A_38 = %scan3A_20) -> (i32)  : i32 {
      "tpu.region"() ({
        %run_scoped3A = tpu.sem_alloc : memref<!tpu.dma_semaphore, #tpu.memory_space<semaphore_mem>>
        %dma_start3A = arith.constant 0 : i32
        %dma_start3A_172 = tpu.memref_slice %arg8[%scan3A_37, %dma_start3A] : memref<40x128xi32, #tpu.memory_space<vmem>> -> memref<1x128xi32, #tpu.memory_space<vmem>>
        %dma_start3A_173 = tpu.memref_squeeze %dma_start3A_172 : memref<1x128xi32, #tpu.memory_space<vmem>> -> memref<128xi32, #tpu.memory_space<vmem>>
        %dma_start3A_174 = arith.constant 0 : i32
        %dma_start3A_175 = tpu.memref_slice %arg10[%dma_start3A_174] : memref<10240xf32, #tpu.memory_space<vmem_shared>> -> memref<10240xf32, #tpu.memory_space<vmem_shared>>
        tpu.enqueue_indirect_dma source(%arg7 : memref<128xf32, #tpu.memory_space<vmem>>) target(%dma_start3A_175 : memref<10240xf32, #tpu.memory_space<vmem_shared>>) offsets(%dma_start3A_173 : memref<128xi32, #tpu.memory_space<vmem>>) semaphore(%run_scoped3A : memref<!tpu.dma_semaphore, #tpu.memory_space<semaphore_mem>>) {add = true}
        %dma_wait3A = arith.constant 0 : i32
        %dma_wait3A_176 = tpu.memref_slice %arg8[%scan3A_37, %dma_wait3A] : memref<40x128xi32, #tpu.memory_space<vmem>> -> memref<1x128xi32, #tpu.memory_space<vmem>>
        %dma_wait3A_177 = tpu.memref_squeeze %dma_wait3A_176 : memref<1x128xi32, #tpu.memory_space<vmem>> -> memref<128xi32, #tpu.memory_space<vmem>>
        %dma_wait3A_178 = arith.constant 0 : i32
        %dma_wait3A_179 = tpu.memref_slice %arg10[%dma_wait3A_178] : memref<10240xf32, #tpu.memory_space<vmem_shared>> -> memref<10240xf32, #tpu.memory_space<vmem_shared>>
        tpu.wait_indirect_dma semaphore(%run_scoped3A : memref<!tpu.dma_semaphore, #tpu.memory_space<semaphore_mem>>) src(%arg7 : memref<128xf32, #tpu.memory_space<vmem>>) dst(%dma_wait3A_179 : memref<10240xf32, #tpu.memory_space<vmem_shared>>)
        tpu.yield
      }) : () -> ()
      %get3A = arith.index_cast %scan3A_37 : i32 to index
      %get3A_39 = arith.constant 0 : index
      %get3A_40 = tpu.vector_load %arg8[%get3A, %get3A_39] {strides = array<i32>} : memref<40x128xi32, #tpu.memory_space<vmem>>, vector<1x16xi32>,
      %get3A_41 = vector.shape_cast %get3A_40 : vector<1x16xi32> to vector<16xi32>
      %shift_left3A = arith.constant 16 : i32
      %shift_left3A_42 = vector.broadcast %shift_left3A : i32 to vector<16xi32>
      %shift_left3A_43 = arith.shli %get3A_41, %shift_left3A_42 : vector<16xi32>
      %get3A_44 = arith.index_cast %scan3A_37 : i32 to index
      %get3A_45 = arith.constant 0 : index
      %get3A_46 = tpu.vector_load %arg9[%get3A_44, %get3A_45] {strides = array<i32>} : memref<40x128xi32, #tpu.memory_space<vmem>>, vector<1x16xi32>,
      %get3A_47 = vector.shape_cast %get3A_46 : vector<1x16xi32> to vector<16xi32>
      %or3A = arith.ori %shift_left3A_43, %get3A_47 : vector<16xi32>
      %swap3A = arith.index_cast %scan3A_37 : i32 to index
      %swap3A_48 = arith.constant 0 : index
      %swap3A_49 = tpu.vector_load %arg8[%swap3A, %swap3A_48] {strides = array<i32>} : memref<40x128xi32, #tpu.memory_space<vmem>>, vector<1x16xi32>,
      %swap3A_50 = vector.shape_cast %swap3A_49 : vector<1x16xi32> to vector<16xi32>
      %swap3A_51 = vector.shape_cast %or3A : vector<16xi32> to vector<1x16xi32>
      tpu.vector_store %arg8[%swap3A, %swap3A_48], %swap3A_51 {strides = array<i32>} : memref<40x128xi32, #tpu.memory_space<vmem>>, vector<1x16xi32>,
      %get3A_52 = arith.index_cast %scan3A_37 : i32 to index
      %get3A_53 = arith.constant 16 : index
      %get3A_54 = tpu.vector_load %arg8[%get3A_52, %get3A_53] {strides = array<i32>} : memref<40x128xi32, #tpu.memory_space<vmem>>, vector<1x16xi32>,
      %get3A_55 = vector.shape_cast %get3A_54 : vector<1x16xi32> to vector<16xi32>
      %shift_left3A_56 = arith.constant 16 : i32
      %shift_left3A_57 = vector.broadcast %shift_left3A_56 : i32 to vector<16xi32>
      %shift_left3A_58 = arith.shli %get3A_55, %shift_left3A_57 : vector<16xi32>
      %get3A_59 = arith.index_cast %scan3A_37 : i32 to index
      %get3A_60 = arith.constant 16 : index
      %get3A_61 = tpu.vector_load %arg9[%get3A_59, %get3A_60] {strides = array<i32>} : memref<40x128xi32, #tpu.memory_space<vmem>>, vector<1x16xi32>,
      %get3A_62 = vector.shape_cast %get3A_61 : vector<1x16xi32> to vector<16xi32>
      %or3A_63 = arith.ori %shift_left3A_58, %get3A_62 : vector<16xi32>
      %swap3A_64 = arith.index_cast %scan3A_37 : i32 to index
      %swap3A_65 = arith.constant 16 : index
      %swap3A_66 = tpu.vector_load %arg8[%swap3A_64, %swap3A_65] {strides = array<i32>} : memref<40x128xi32, #tpu.memory_space<vmem>>, vector<1x16xi32>,
      %swap3A_67 = vector.shape_cast %swap3A_66 : vector<1x16xi32> to vector<16xi32>
      %swap3A_68 = vector.shape_cast %or3A_63 : vector<16xi32> to vector<1x16xi32>
      tpu.vector_store %arg8[%swap3A_64, %swap3A_65], %swap3A_68 {strides = array<i32>} : memref<40x128xi32, #tpu.memory_space<vmem>>, vector<1x16xi32>,
      %get3A_69 = arith.index_cast %scan3A_37 : i32 to index
      %get3A_70 = arith.constant 32 : index
      %get3A_71 = tpu.vector_load %arg8[%get3A_69, %get3A_70] {strides = array<i32>} : memref<40x128xi32, #tpu.memory_space<vmem>>, vector<1x16xi32>,
      %get3A_72 = vector.shape_cast %get3A_71 : vector<1x16xi32> to vector<16xi32>
      %shift_left3A_73 = arith.constant 16 : i32
      %shift_left3A_74 = vector.broadcast %shift_left3A_73 : i32 to vector<16xi32>
      %shift_left3A_75 = arith.shli %get3A_72, %shift_left3A_74 : vector<16xi32>
      %get3A_76 = arith.index_cast %scan3A_37 : i32 to index
      %get3A_77 = arith.constant 32 : index
      %get3A_78 = tpu.vector_load %arg9[%get3A_76, %get3A_77] {strides = array<i32>} : memref<40x128xi32, #tpu.memory_space<vmem>>, vector<1x16xi32>,
      %get3A_79 = vector.shape_cast %get3A_78 : vector<1x16xi32> to vector<16xi32>
      %or3A_80 = arith.ori %shift_left3A_75, %get3A_79 : vector<16xi32>
      %swap3A_81 = arith.index_cast %scan3A_37 : i32 to index
      %swap3A_82 = arith.constant 32 : index
      %swap3A_83 = tpu.vector_load %arg8[%swap3A_81, %swap3A_82] {strides = array<i32>} : memref<40x128xi32, #tpu.memory_space<vmem>>, vector<1x16xi32>,
      %swap3A_84 = vector.shape_cast %swap3A_83 : vector<1x16xi32> to vector<16xi32>
      %swap3A_85 = vector.shape_cast %or3A_80 : vector<16xi32> to vector<1x16xi32>
      tpu.vector_store %arg8[%swap3A_81, %swap3A_82], %swap3A_85 {strides = array<i32>} : memref<40x128xi32, #tpu.memory_space<vmem>>, vector<1x16xi32>,
      %get3A_86 = arith.index_cast %scan3A_37 : i32 to index
      %get3A_87 = arith.constant 48 : index
      %get3A_88 = tpu.vector_load %arg8[%get3A_86, %get3A_87] {strides = array<i32>} : memref<40x128xi32, #tpu.memory_space<vmem>>, vector<1x16xi32>,
      %get3A_89 = vector.shape_cast %get3A_88 : vector<1x16xi32> to vector<16xi32>
      %shift_left3A_90 = arith.constant 16 : i32
      %shift_left3A_91 = vector.broadcast %shift_left3A_90 : i32 to vector<16xi32>
      %shift_left3A_92 = arith.shli %get3A_89, %shift_left3A_91 : vector<16xi32>
      %get3A_93 = arith.index_cast %scan3A_37 : i32 to index
      %get3A_94 = arith.constant 48 : index
      %get3A_95 = tpu.vector_load %arg9[%get3A_93, %get3A_94] {strides = array<i32>} : memref<40x128xi32, #tpu.memory_space<vmem>>, vector<1x16xi32>,
      %get3A_96 = vector.shape_cast %get3A_95 : vector<1x16xi32> to vector<16xi32>
      %or3A_97 = arith.ori %shift_left3A_92, %get3A_96 : vector<16xi32>
      %swap3A_98 = arith.index_cast %scan3A_37 : i32 to index
      %swap3A_99 = arith.constant 48 : index
      %swap3A_100 = tpu.vector_load %arg8[%swap3A_98, %swap3A_99] {strides = array<i32>} : memref<40x128xi32, #tpu.memory_space<vmem>>, vector<1x16xi32>,
      %swap3A_101 = vector.shape_cast %swap3A_100 : vector<1x16xi32> to vector<16xi32>
      %swap3A_102 = vector.shape_cast %or3A_97 : vector<16xi32> to vector<1x16xi32>
      tpu.vector_store %arg8[%swap3A_98, %swap3A_99], %swap3A_102 {strides = array<i32>} : memref<40x128xi32, #tpu.memory_space<vmem>>, vector<1x16xi32>,
      %get3A_103 = arith.index_cast %scan3A_37 : i32 to index
      %get3A_104 = arith.constant 64 : index
      %get3A_105 = tpu.vector_load %arg8[%get3A_103, %get3A_104] {strides = array<i32>} : memref<40x128xi32, #tpu.memory_space<vmem>>, vector<1x16xi32>,
      %get3A_106 = vector.shape_cast %get3A_105 : vector<1x16xi32> to vector<16xi32>
      %shift_left3A_107 = arith.constant 16 : i32
      %shift_left3A_108 = vector.broadcast %shift_left3A_107 : i32 to vector<16xi32>
      %shift_left3A_109 = arith.shli %get3A_106, %shift_left3A_108 : vector<16xi32>
      %get3A_110 = arith.index_cast %scan3A_37 : i32 to index
      %get3A_111 = arith.constant 64 : index
      %get3A_112 = tpu.vector_load %arg9[%get3A_110, %get3A_111] {strides = array<i32>} : memref<40x128xi32, #tpu.memory_space<vmem>>, vector<1x16xi32>,
      %get3A_113 = vector.shape_cast %get3A_112 : vector<1x16xi32> to vector<16xi32>
      %or3A_114 = arith.ori %shift_left3A_109, %get3A_113 : vector<16xi32>
      %swap3A_115 = arith.index_cast %scan3A_37 : i32 to index
      %swap3A_116 = arith.constant 64 : index
      %swap3A_117 = tpu.vector_load %arg8[%swap3A_115, %swap3A_116] {strides = array<i32>} : memref<40x128xi32, #tpu.memory_space<vmem>>, vector<1x16xi32>,
      %swap3A_118 = vector.shape_cast %swap3A_117 : vector<1x16xi32> to vector<16xi32>
      %swap3A_119 = vector.shape_cast %or3A_114 : vector<16xi32> to vector<1x16xi32>
      tpu.vector_store %arg8[%swap3A_115, %swap3A_116], %swap3A_119 {strides = array<i32>} : memref<40x128xi32, #tpu.memory_space<vmem>>, vector<1x16xi32>,
      %get3A_120 = arith.index_cast %scan3A_37 : i32 to index
      %get3A_121 = arith.constant 80 : index
      %get3A_122 = tpu.vector_load %arg8[%get3A_120, %get3A_121] {strides = array<i32>} : memref<40x128xi32, #tpu.memory_space<vmem>>, vector<1x16xi32>,
      %get3A_123 = vector.shape_cast %get3A_122 : vector<1x16xi32> to vector<16xi32>
      %shift_left3A_124 = arith.constant 16 : i32
      %shift_left3A_125 = vector.broadcast %shift_left3A_124 : i32 to vector<16xi32>
      %shift_left3A_126 = arith.shli %get3A_123, %shift_left3A_125 : vector<16xi32>
      %get3A_127 = arith.index_cast %scan3A_37 : i32 to index
      %get3A_128 = arith.constant 80 : index
      %get3A_129 = tpu.vector_load %arg9[%get3A_127, %get3A_128] {strides = array<i32>} : memref<40x128xi32, #tpu.memory_space<vmem>>, vector<1x16xi32>,
      %get3A_130 = vector.shape_cast %get3A_129 : vector<1x16xi32> to vector<16xi32>
      %or3A_131 = arith.ori %shift_left3A_126, %get3A_130 : vector<16xi32>
      %swap3A_132 = arith.index_cast %scan3A_37 : i32 to index
      %swap3A_133 = arith.constant 80 : index
      %swap3A_134 = tpu.vector_load %arg8[%swap3A_132, %swap3A_133] {strides = array<i32>} : memref<40x128xi32, #tpu.memory_space<vmem>>, vector<1x16xi32>,
      %swap3A_135 = vector.shape_cast %swap3A_134 : vector<1x16xi32> to vector<16xi32>
      %swap3A_136 = vector.shape_cast %or3A_131 : vector<16xi32> to vector<1x16xi32>
      tpu.vector_store %arg8[%swap3A_132, %swap3A_133], %swap3A_136 {strides = array<i32>} : memref<40x128xi32, #tpu.memory_space<vmem>>, vector<1x16xi32>,
      %get3A_137 = arith.index_cast %scan3A_37 : i32 to index
      %get3A_138 = arith.constant 96 : index
      %get3A_139 = tpu.vector_load %arg8[%get3A_137, %get3A_138] {strides = array<i32>} : memref<40x128xi32, #tpu.memory_space<vmem>>, vector<1x16xi32>,
      %get3A_140 = vector.shape_cast %get3A_139 : vector<1x16xi32> to vector<16xi32>
      %shift_left3A_141 = arith.constant 16 : i32
      %shift_left3A_142 = vector.broadcast %shift_left3A_141 : i32 to vector<16xi32>
      %shift_left3A_143 = arith.shli %get3A_140, %shift_left3A_142 : vector<16xi32>
      %get3A_144 = arith.index_cast %scan3A_37 : i32 to index
      %get3A_145 = arith.constant 96 : index
      %get3A_146 = tpu.vector_load %arg9[%get3A_144, %get3A_145] {strides = array<i32>} : memref<40x128xi32, #tpu.memory_space<vmem>>, vector<1x16xi32>,
      %get3A_147 = vector.shape_cast %get3A_146 : vector<1x16xi32> to vector<16xi32>
      %or3A_148 = arith.ori %shift_left3A_143, %get3A_147 : vector<16xi32>
      %swap3A_149 = arith.index_cast %scan3A_37 : i32 to index
      %swap3A_150 = arith.constant 96 : index
      %swap3A_151 = tpu.vector_load %arg8[%swap3A_149, %swap3A_150] {strides = array<i32>} : memref<40x128xi32, #tpu.memory_space<vmem>>, vector<1x16xi32>,
      %swap3A_152 = vector.shape_cast %swap3A_151 : vector<1x16xi32> to vector<16xi32>
      %swap3A_153 = vector.shape_cast %or3A_148 : vector<16xi32> to vector<1x16xi32>
      tpu.vector_store %arg8[%swap3A_149, %swap3A_150], %swap3A_153 {strides = array<i32>} : memref<40x128xi32, #tpu.memory_space<vmem>>, vector<1x16xi32>,
      %get3A_154 = arith.index_cast %scan3A_37 : i32 to index
      %get3A_155 = arith.constant 112 : index
      %get3A_156 = tpu.vector_load %arg8[%get3A_154, %get3A_155] {strides = array<i32>} : memref<40x128xi32, #tpu.memory_space<vmem>>, vector<1x16xi32>,
      %get3A_157 = vector.shape_cast %get3A_156 : vector<1x16xi32> to vector<16xi32>
      %shift_left3A_158 = arith.constant 16 : i32
      %shift_left3A_159 = vector.broadcast %shift_left3A_158 : i32 to vector<16xi32>
      %shift_left3A_160 = arith.shli %get3A_157, %shift_left3A_159 : vector<16xi32>
      %get3A_161 = arith.index_cast %scan3A_37 : i32 to index
      %get3A_162 = arith.constant 112 : index
      %get3A_163 = tpu.vector_load %arg9[%get3A_161, %get3A_162] {strides = array<i32>} : memref<40x128xi32, #tpu.memory_space<vmem>>, vector<1x16xi32>,
      %get3A_164 = vector.shape_cast %get3A_163 : vector<1x16xi32> to vector<16xi32>
      %or3A_165 = arith.ori %shift_left3A_160, %get3A_164 : vector<16xi32>
      %swap3A_166 = arith.index_cast %scan3A_37 : i32 to index
      %swap3A_167 = arith.constant 112 : index
      %swap3A_168 = tpu.vector_load %arg8[%swap3A_166, %swap3A_167] {strides = array<i32>} : memref<40x128xi32, #tpu.memory_space<vmem>>, vector<1x16xi32>,
      %swap3A_169 = vector.shape_cast %swap3A_168 : vector<1x16xi32> to vector<16xi32>
      %swap3A_170 = vector.shape_cast %or3A_165 : vector<16xi32> to vector<1x16xi32>
      tpu.vector_store %arg8[%swap3A_166, %swap3A_167], %swap3A_170 {strides = array<i32>} : memref<40x128xi32, #tpu.memory_space<vmem>>, vector<1x16xi32>,
      %scan3A_171 = arith.constant 0 : i32
      scf.yield %scan3A_171 : i32
    }
    %scan3A_26 = arith.constant 40 : i32
    %mul3A_27 = arith.constant 40 : i32
    %mul3A_28 = arith.muli %add3A, %mul3A_27 : i32
    "tpu.region"() ({
      %run_scoped3A = tpu.sem_alloc : memref<!tpu.dma_semaphore, #tpu.memory_space<semaphore_mem>>
      %dma_start3A = arith.constant 0 : i32
      %dma_start3A_37 = tpu.memref_slice %arg5[%mul3A_28, %dma_start3A] : memref<1280x128xi32, #tpu.memory_space<hbm>> -> memref<40x128xi32, #tpu.memory_space<hbm>>
      %dma_start3A_38 = arith.constant 0 : i32
      %dma_start3A_39 = tpu.memref_slice %arg5[%mul3A_28, %dma_start3A_38] : memref<1280x128xi32, #tpu.memory_space<hbm>> -> memref<40x128xi32, #tpu.memory_space<hbm>>
      tpu.enqueue_dma source(%arg8 : memref<40x128xi32, #tpu.memory_space<vmem>>) target(%dma_start3A_39 : memref<40x128xi32, #tpu.memory_space<hbm>>) target_semaphore(%run_scoped3A : memref<!tpu.dma_semaphore, #tpu.memory_space<semaphore_mem>>)
      %dma_wait3A = arith.constant 0 : i32
      %dma_wait3A_40 = tpu.memref_slice %arg5[%mul3A_28, %dma_wait3A] : memref<1280x128xi32, #tpu.memory_space<hbm>> -> memref<40x128xi32, #tpu.memory_space<hbm>>
      %dma_wait3A_41 = arith.constant 0 : i32
      %dma_wait3A_42 = tpu.memref_slice %arg5[%mul3A_28, %dma_wait3A_41] : memref<1280x128xi32, #tpu.memory_space<hbm>> -> memref<40x128xi32, #tpu.memory_space<hbm>>
      tpu.wait_dma2 semaphore(%run_scoped3A : memref<!tpu.dma_semaphore, #tpu.memory_space<semaphore_mem>>) src(%arg8 : memref<40x128xi32, #tpu.memory_space<vmem>>) dst(%dma_wait3A_42 : memref<40x128xi32, #tpu.memory_space<hbm>>)
      tpu.yield
    }) : () -> ()
    %barrier3A_29 = arith.constant 0 : index
    tpu.barrier barrier_id(%barrier3A_29)
    %mul3A_30 = arith.constant 640 : i32
    %mul3A_31 = arith.muli %arg1, %mul3A_30 : i32
    %mul3A_32 = arith.constant 10240 : i32
    %mul3A_33 = arith.muli %arg0, %mul3A_32 : i32
    %mul3A_34 = arith.constant 640 : i32
    %mul3A_35 = arith.muli %arg1, %mul3A_34 : i32
    %add3A_36 = arith.addi %mul3A_33, %mul3A_35 : i32
    "tpu.region"() ({
      %run_scoped3A = tpu.sem_alloc : memref<!tpu.dma_semaphore, #tpu.memory_space<semaphore_mem>>
      %dma_start3A = tpu.memref_slice %arg4[%add3A_36] : memref<20480xf32, #tpu.memory_space<hbm>> -> memref<640xf32, #tpu.memory_space<hbm>>
      %dma_start3A_37 = tpu.memref_slice %arg10[%mul3A_31] : memref<10240xf32, #tpu.memory_space<vmem_shared>> -> memref<640xf32, #tpu.memory_space<vmem_shared>>
      tpu.enqueue_dma source(%dma_start3A_37 : memref<640xf32, #tpu.memory_space<vmem_shared>>) target(%dma_start3A : memref<640xf32, #tpu.memory_space<hbm>>) target_semaphore(%run_scoped3A : memref<!tpu.dma_semaphore, #tpu.memory_space<semaphore_mem>>)
      %dma_wait3A = tpu.memref_slice %arg4[%add3A_36] : memref<20480xf32, #tpu.memory_space<hbm>> -> memref<640xf32, #tpu.memory_space<hbm>>
      %dma_wait3A_38 = tpu.memref_slice %arg10[%mul3A_31] : memref<10240xf32, #tpu.memory_space<vmem_shared>> -> memref<640xf32, #tpu.memory_space<vmem_shared>>
      tpu.wait_dma2 semaphore(%run_scoped3A : memref<!tpu.dma_semaphore, #tpu.memory_space<semaphore_mem>>) src(%dma_wait3A_38 : memref<640xf32, #tpu.memory_space<vmem_shared>>) dst(%dma_wait3A : memref<640xf32, #tpu.memory_space<hbm>>)
      tpu.yield
    }) : () -> ()
    return
  }
}

#map = affine_map<(d0, d1) -> (0, 0)>
#map1 = affine_map<(d0, d1) -> (0, 0, 0)>
module attributes {stable_mosaic.version = 14 : i64} {
  func.func @_agg_body(%arg0: i32, %arg1: i32, %arg2: memref<20000x128xf32, #tpu.memory_space<hbm>>, %arg3: memref<1280x128xi32, #tpu.memory_space<hbm>>, %arg4: memref<2x10000x128xf32, #tpu.memory_space<hbm>>, %arg5: memref<80x128xi32, #tpu.memory_space<vmem>>, %arg6: memref<2x128xi32, #tpu.memory_space<vmem>>, %arg7: memref<2x128xi32, #tpu.memory_space<vmem>>, %arg8: memref<2x128x128xf32, #tpu.memory_space<vmem>>, %arg9: memref<10240x128xf32, #tpu.memory_space<vmem_shared>>, %arg10: memref<!tpu.dma_semaphore, #tpu.memory_space<semaphore_mem>>, %arg11: memref<!tpu.dma_semaphore, #tpu.memory_space<semaphore_mem>>) attributes {dimension_semantics = [#tpu.dimension_semantics<core_parallel>, #tpu.dimension_semantics<subcore_parallel>], iteration_bounds = array<i64: 2, 16>, scalar_prefetch = 0 : i64, scratch_operands = 7 : i64, tpu.core_type = #tpu.core_type<sc_vector_subcore>, window_params = [{transform_indices = #map}, {transform_indices = #map}, {transform_indices = #map1}]} {
    %mul3A = arith.constant 10000 : i32
    %mul3A_0 = arith.muli %arg0, %mul3A : i32
    %mul3A_1 = arith.constant 80 : i32
    %mul3A_2 = arith.muli %arg1, %mul3A_1 : i32
    "tpu.region"() ({
      %run_scoped3A = tpu.sem_alloc : memref<!tpu.dma_semaphore, #tpu.memory_space<semaphore_mem>>
      %dma_start3A_444 = arith.constant 0 : i32
      %dma_start3A_445 = tpu.memref_slice %arg3[%mul3A_2, %dma_start3A_444] : memref<1280x128xi32, #tpu.memory_space<hbm>> -> memref<80x128xi32, #tpu.memory_space<hbm>>
      %dma_start3A_446 = arith.constant 0 : i32
      %dma_start3A_447 = tpu.memref_slice %arg3[%mul3A_2, %dma_start3A_446] : memref<1280x128xi32, #tpu.memory_space<hbm>> -> memref<80x128xi32, #tpu.memory_space<hbm>>
      tpu.enqueue_dma source(%dma_start3A_447 : memref<80x128xi32, #tpu.memory_space<hbm>>) target(%arg5 : memref<80x128xi32, #tpu.memory_space<vmem>>) target_semaphore(%run_scoped3A : memref<!tpu.dma_semaphore, #tpu.memory_space<semaphore_mem>>)
      %dma_wait3A = arith.constant 0 : i32
      %dma_wait3A_448 = tpu.memref_slice %arg3[%mul3A_2, %dma_wait3A] : memref<1280x128xi32, #tpu.memory_space<hbm>> -> memref<80x128xi32, #tpu.memory_space<hbm>>
      %dma_wait3A_449 = arith.constant 0 : i32
      %dma_wait3A_450 = tpu.memref_slice %arg3[%mul3A_2, %dma_wait3A_449] : memref<1280x128xi32, #tpu.memory_space<hbm>> -> memref<80x128xi32, #tpu.memory_space<hbm>>
      tpu.wait_dma2 semaphore(%run_scoped3A : memref<!tpu.dma_semaphore, #tpu.memory_space<semaphore_mem>>) src(%dma_wait3A_450 : memref<80x128xi32, #tpu.memory_space<hbm>>) dst(%arg5 : memref<80x128xi32, #tpu.memory_space<vmem>>)
      tpu.yield
    }) : () -> ()
    %lt3A = arith.constant 15 : i32
    %lt3A_3 = arith.cmpi slt, %arg1, %lt3A : i32
    %convert_element_type3A = arith.extui %lt3A_3 : i1 to i32
    %cond3A = arith.constant 0 : i32
    %cond3A_4 = arith.cmpi ne, %convert_element_type3A, %cond3A : i32
    scf.if %cond3A_4 {
      %mul3A_444 = arith.constant 640 : i32
      %mul3A_445 = arith.muli %arg1, %mul3A_444 : i32
      %add3A_446 = arith.addi %mul3A_0, %mul3A_445 : i32
      %mul3A_447 = arith.constant 640 : i32
      %mul3A_448 = arith.muli %arg1, %mul3A_447 : i32
      "tpu.region"() ({
        %run_scoped3A = tpu.sem_alloc : memref<!tpu.dma_semaphore, #tpu.memory_space<semaphore_mem>>
        %dma_start3A_449 = arith.constant 0 : i32
        %dma_start3A_450 = tpu.memref_slice %arg9[%mul3A_448, %dma_start3A_449] : memref<10240x128xf32, #tpu.memory_space<vmem_shared>> -> memref<640x128xf32, #tpu.memory_space<vmem_shared>>
        %dma_start3A_451 = arith.constant 0 : i32
        %dma_start3A_452 = tpu.memref_slice %arg2[%add3A_446, %dma_start3A_451] : memref<20000x128xf32, #tpu.memory_space<hbm>> -> memref<640x128xf32, #tpu.memory_space<hbm>>
        tpu.enqueue_dma source(%dma_start3A_452 : memref<640x128xf32, #tpu.memory_space<hbm>>) target(%dma_start3A_450 : memref<640x128xf32, #tpu.memory_space<vmem_shared>>) target_semaphore(%run_scoped3A : memref<!tpu.dma_semaphore, #tpu.memory_space<semaphore_mem>>)
        %dma_wait3A = arith.constant 0 : i32
        %dma_wait3A_453 = tpu.memref_slice %arg9[%mul3A_448, %dma_wait3A] : memref<10240x128xf32, #tpu.memory_space<vmem_shared>> -> memref<640x128xf32, #tpu.memory_space<vmem_shared>>
        %dma_wait3A_454 = arith.constant 0 : i32
        %dma_wait3A_455 = tpu.memref_slice %arg2[%add3A_446, %dma_wait3A_454] : memref<20000x128xf32, #tpu.memory_space<hbm>> -> memref<640x128xf32, #tpu.memory_space<hbm>>
        tpu.wait_dma2 semaphore(%run_scoped3A : memref<!tpu.dma_semaphore, #tpu.memory_space<semaphore_mem>>) src(%dma_wait3A_455 : memref<640x128xf32, #tpu.memory_space<hbm>>) dst(%dma_wait3A_453 : memref<640x128xf32, #tpu.memory_space<vmem_shared>>)
        tpu.yield
      }) : () -> ()
    } else {
    }
    %eq3A = arith.constant 15 : i32
    %eq3A_5 = arith.cmpi eq, %arg1, %eq3A : i32
    %convert_element_type3A_6 = arith.extui %eq3A_5 : i1 to i32
    %cond3A_7 = arith.constant 0 : i32
    %cond3A_8 = arith.cmpi ne, %convert_element_type3A_6, %cond3A_7 : i32
    scf.if %cond3A_8 {
      %add3A_444 = arith.constant 9600 : i32
      %add3A_445 = arith.addi %mul3A_0, %add3A_444 : i32
      "tpu.region"() ({
        %run_scoped3A = tpu.sem_alloc : memref<!tpu.dma_semaphore, #tpu.memory_space<semaphore_mem>>
        %dma_start3A_446 = arith.constant 9600 : i32
        %dma_start3A_447 = arith.constant 0 : i32
        %dma_start3A_448 = tpu.memref_slice %arg9[%dma_start3A_446, %dma_start3A_447] : memref<10240x128xf32, #tpu.memory_space<vmem_shared>> -> memref<400x128xf32, #tpu.memory_space<vmem_shared>>
        %dma_start3A_449 = arith.constant 0 : i32
        %dma_start3A_450 = tpu.memref_slice %arg2[%add3A_445, %dma_start3A_449] : memref<20000x128xf32, #tpu.memory_space<hbm>> -> memref<400x128xf32, #tpu.memory_space<hbm>>
        tpu.enqueue_dma source(%dma_start3A_450 : memref<400x128xf32, #tpu.memory_space<hbm>>) target(%dma_start3A_448 : memref<400x128xf32, #tpu.memory_space<vmem_shared>>) target_semaphore(%run_scoped3A : memref<!tpu.dma_semaphore, #tpu.memory_space<semaphore_mem>>)
        %dma_wait3A = arith.constant 9600 : i32
        %dma_wait3A_451 = arith.constant 0 : i32
        %dma_wait3A_452 = tpu.memref_slice %arg9[%dma_wait3A, %dma_wait3A_451] : memref<10240x128xf32, #tpu.memory_space<vmem_shared>> -> memref<400x128xf32, #tpu.memory_space<vmem_shared>>
        %dma_wait3A_453 = arith.constant 0 : i32
        %dma_wait3A_454 = tpu.memref_slice %arg2[%add3A_445, %dma_wait3A_453] : memref<20000x128xf32, #tpu.memory_space<hbm>> -> memref<400x128xf32, #tpu.memory_space<hbm>>
        tpu.wait_dma2 semaphore(%run_scoped3A : memref<!tpu.dma_semaphore, #tpu.memory_space<semaphore_mem>>) src(%dma_wait3A_454 : memref<400x128xf32, #tpu.memory_space<hbm>>) dst(%dma_wait3A_452 : memref<400x128xf32, #tpu.memory_space<vmem_shared>>)
        tpu.yield
      }) : () -> ()
    } else {
    }
    %barrier3A = arith.constant 0 : index
    tpu.barrier barrier_id(%barrier3A)
    %get3A = arith.constant 0 : i32
    %get3A_9 = arith.index_cast %get3A : i32 to index
    %get3A_10 = arith.constant 0 : index
    %get3A_11 = tpu.vector_load %arg5[%get3A_9, %get3A_10] {strides = array<i32>} : memref<80x128xi32, #tpu.memory_space<vmem>>, vector<1x16xi32>,
    %get3A_12 = vector.shape_cast %get3A_11 : vector<1x16xi32> to vector<16xi32>
    %shift_right_logical3A = arith.constant 16 : i32
    %shift_right_logical3A_13 = vector.broadcast %shift_right_logical3A : i32 to vector<16xi32>
    %shift_right_logical3A_14 = arith.shrui %get3A_12, %shift_right_logical3A_13 : vector<16xi32>
    %swap3A = arith.constant 0 : i32
    %swap3A_15 = arith.index_cast %swap3A : i32 to index
    %swap3A_16 = arith.constant 0 : index
    %swap3A_17 = tpu.vector_load %arg7[%swap3A_15, %swap3A_16] {strides = array<i32>} : memref<2x128xi32, #tpu.memory_space<vmem>>, vector<1x16xi32>,
    %swap3A_18 = vector.shape_cast %swap3A_17 : vector<1x16xi32> to vector<16xi32>
    %swap3A_19 = vector.shape_cast %shift_right_logical3A_14 : vector<16xi32> to vector<1x16xi32>
    tpu.vector_store %arg7[%swap3A_15, %swap3A_16], %swap3A_19 {strides = array<i32>} : memref<2x128xi32, #tpu.memory_space<vmem>>, vector<1x16xi32>,
    %and3A = arith.constant 65535 : i32
    %and3A_20 = vector.broadcast %and3A : i32 to vector<16xi32>
    %and3A_21 = arith.andi %get3A_12, %and3A_20 : vector<16xi32>
    %add3A = vector.broadcast %mul3A_0 : i32 to vector<16xi32>
    %add3A_22 = arith.addi %and3A_21, %add3A : vector<16xi32>
    %swap3A_23 = arith.constant 0 : i32
    %swap3A_24 = arith.index_cast %swap3A_23 : i32 to index
    %swap3A_25 = arith.constant 0 : index
    %swap3A_26 = tpu.vector_load %arg6[%swap3A_24, %swap3A_25] {strides = array<i32>} : memref<2x128xi32, #tpu.memory_space<vmem>>, vector<1x16xi32>,
    %swap3A_27 = vector.shape_cast %swap3A_26 : vector<1x16xi32> to vector<16xi32>
    %swap3A_28 = vector.shape_cast %add3A_22 : vector<16xi32> to vector<1x16xi32>
    tpu.vector_store %arg6[%swap3A_24, %swap3A_25], %swap3A_28 {strides = array<i32>} : memref<2x128xi32, #tpu.memory_space<vmem>>, vector<1x16xi32>,
    %get3A_29 = arith.constant 0 : i32
    %get3A_30 = arith.index_cast %get3A_29 : i32 to index
    %get3A_31 = arith.constant 16 : index
    %get3A_32 = tpu.vector_load %arg5[%get3A_30, %get3A_31] {strides = array<i32>} : memref<80x128xi32, #tpu.memory_space<vmem>>, vector<1x16xi32>,
    %get3A_33 = vector.shape_cast %get3A_32 : vector<1x16xi32> to vector<16xi32>
    %shift_right_logical3A_34 = arith.constant 16 : i32
    %shift_right_logical3A_35 = vector.broadcast %shift_right_logical3A_34 : i32 to vector<16xi32>
    %shift_right_logical3A_36 = arith.shrui %get3A_33, %shift_right_logical3A_35 : vector<16xi32>
    %swap3A_37 = arith.constant 0 : i32
    %swap3A_38 = arith.index_cast %swap3A_37 : i32 to index
    %swap3A_39 = arith.constant 16 : index
    %swap3A_40 = tpu.vector_load %arg7[%swap3A_38, %swap3A_39] {strides = array<i32>} : memref<2x128xi32, #tpu.memory_space<vmem>>, vector<1x16xi32>,
    %swap3A_41 = vector.shape_cast %swap3A_40 : vector<1x16xi32> to vector<16xi32>
    %swap3A_42 = vector.shape_cast %shift_right_logical3A_36 : vector<16xi32> to vector<1x16xi32>
    tpu.vector_store %arg7[%swap3A_38, %swap3A_39], %swap3A_42 {strides = array<i32>} : memref<2x128xi32, #tpu.memory_space<vmem>>, vector<1x16xi32>,
    %and3A_43 = arith.constant 65535 : i32
    %and3A_44 = vector.broadcast %and3A_43 : i32 to vector<16xi32>
    %and3A_45 = arith.andi %get3A_33, %and3A_44 : vector<16xi32>
    %add3A_46 = vector.broadcast %mul3A_0 : i32 to vector<16xi32>
    %add3A_47 = arith.addi %and3A_45, %add3A_46 : vector<16xi32>
    %swap3A_48 = arith.constant 0 : i32
    %swap3A_49 = arith.index_cast %swap3A_48 : i32 to index
    %swap3A_50 = arith.constant 16 : index
    %swap3A_51 = tpu.vector_load %arg6[%swap3A_49, %swap3A_50] {strides = array<i32>} : memref<2x128xi32, #tpu.memory_space<vmem>>, vector<1x16xi32>,
    %swap3A_52 = vector.shape_cast %swap3A_51 : vector<1x16xi32> to vector<16xi32>
    %swap3A_53 = vector.shape_cast %add3A_47 : vector<16xi32> to vector<1x16xi32>
    tpu.vector_store %arg6[%swap3A_49, %swap3A_50], %swap3A_53 {strides = array<i32>} : memref<2x128xi32, #tpu.memory_space<vmem>>, vector<1x16xi32>,
    %get3A_54 = arith.constant 0 : i32
    %get3A_55 = arith.index_cast %get3A_54 : i32 to index
    %get3A_56 = arith.constant 32 : index
    %get3A_57 = tpu.vector_load %arg5[%get3A_55, %get3A_56] {strides = array<i32>} : memref<80x128xi32, #tpu.memory_space<vmem>>, vector<1x16xi32>,
    %get3A_58 = vector.shape_cast %get3A_57 : vector<1x16xi32> to vector<16xi32>
    %shift_right_logical3A_59 = arith.constant 16 : i32
    %shift_right_logical3A_60 = vector.broadcast %shift_right_logical3A_59 : i32 to vector<16xi32>
    %shift_right_logical3A_61 = arith.shrui %get3A_58, %shift_right_logical3A_60 : vector<16xi32>
    %swap3A_62 = arith.constant 0 : i32
    %swap3A_63 = arith.index_cast %swap3A_62 : i32 to index
    %swap3A_64 = arith.constant 32 : index
    %swap3A_65 = tpu.vector_load %arg7[%swap3A_63, %swap3A_64] {strides = array<i32>} : memref<2x128xi32, #tpu.memory_space<vmem>>, vector<1x16xi32>,
    %swap3A_66 = vector.shape_cast %swap3A_65 : vector<1x16xi32> to vector<16xi32>
    %swap3A_67 = vector.shape_cast %shift_right_logical3A_61 : vector<16xi32> to vector<1x16xi32>
    tpu.vector_store %arg7[%swap3A_63, %swap3A_64], %swap3A_67 {strides = array<i32>} : memref<2x128xi32, #tpu.memory_space<vmem>>, vector<1x16xi32>,
    %and3A_68 = arith.constant 65535 : i32
    %and3A_69 = vector.broadcast %and3A_68 : i32 to vector<16xi32>
    %and3A_70 = arith.andi %get3A_58, %and3A_69 : vector<16xi32>
    %add3A_71 = vector.broadcast %mul3A_0 : i32 to vector<16xi32>
    %add3A_72 = arith.addi %and3A_70, %add3A_71 : vector<16xi32>
    %swap3A_73 = arith.constant 0 : i32
    %swap3A_74 = arith.index_cast %swap3A_73 : i32 to index
    %swap3A_75 = arith.constant 32 : index
    %swap3A_76 = tpu.vector_load %arg6[%swap3A_74, %swap3A_75] {strides = array<i32>} : memref<2x128xi32, #tpu.memory_space<vmem>>, vector<1x16xi32>,
    %swap3A_77 = vector.shape_cast %swap3A_76 : vector<1x16xi32> to vector<16xi32>
    %swap3A_78 = vector.shape_cast %add3A_72 : vector<16xi32> to vector<1x16xi32>
    tpu.vector_store %arg6[%swap3A_74, %swap3A_75], %swap3A_78 {strides = array<i32>} : memref<2x128xi32, #tpu.memory_space<vmem>>, vector<1x16xi32>,
    %get3A_79 = arith.constant 0 : i32
    %get3A_80 = arith.index_cast %get3A_79 : i32 to index
    %get3A_81 = arith.constant 48 : index
    %get3A_82 = tpu.vector_load %arg5[%get3A_80, %get3A_81] {strides = array<i32>} : memref<80x128xi32, #tpu.memory_space<vmem>>, vector<1x16xi32>,
    %get3A_83 = vector.shape_cast %get3A_82 : vector<1x16xi32> to vector<16xi32>
    %shift_right_logical3A_84 = arith.constant 16 : i32
    %shift_right_logical3A_85 = vector.broadcast %shift_right_logical3A_84 : i32 to vector<16xi32>
    %shift_right_logical3A_86 = arith.shrui %get3A_83, %shift_right_logical3A_85 : vector<16xi32>
    %swap3A_87 = arith.constant 0 : i32
    %swap3A_88 = arith.index_cast %swap3A_87 : i32 to index
    %swap3A_89 = arith.constant 48 : index
    %swap3A_90 = tpu.vector_load %arg7[%swap3A_88, %swap3A_89] {strides = array<i32>} : memref<2x128xi32, #tpu.memory_space<vmem>>, vector<1x16xi32>,
    %swap3A_91 = vector.shape_cast %swap3A_90 : vector<1x16xi32> to vector<16xi32>
    %swap3A_92 = vector.shape_cast %shift_right_logical3A_86 : vector<16xi32> to vector<1x16xi32>
    tpu.vector_store %arg7[%swap3A_88, %swap3A_89], %swap3A_92 {strides = array<i32>} : memref<2x128xi32, #tpu.memory_space<vmem>>, vector<1x16xi32>,
    %and3A_93 = arith.constant 65535 : i32
    %and3A_94 = vector.broadcast %and3A_93 : i32 to vector<16xi32>
    %and3A_95 = arith.andi %get3A_83, %and3A_94 : vector<16xi32>
    %add3A_96 = vector.broadcast %mul3A_0 : i32 to vector<16xi32>
    %add3A_97 = arith.addi %and3A_95, %add3A_96 : vector<16xi32>
    %swap3A_98 = arith.constant 0 : i32
    %swap3A_99 = arith.index_cast %swap3A_98 : i32 to index
    %swap3A_100 = arith.constant 48 : index
    %swap3A_101 = tpu.vector_load %arg6[%swap3A_99, %swap3A_100] {strides = array<i32>} : memref<2x128xi32, #tpu.memory_space<vmem>>, vector<1x16xi32>,
    %swap3A_102 = vector.shape_cast %swap3A_101 : vector<1x16xi32> to vector<16xi32>
    %swap3A_103 = vector.shape_cast %add3A_97 : vector<16xi32> to vector<1x16xi32>
    tpu.vector_store %arg6[%swap3A_99, %swap3A_100], %swap3A_103 {strides = array<i32>} : memref<2x128xi32, #tpu.memory_space<vmem>>, vector<1x16xi32>,
    %get3A_104 = arith.constant 0 : i32
    %get3A_105 = arith.index_cast %get3A_104 : i32 to index
    %get3A_106 = arith.constant 64 : index
    %get3A_107 = tpu.vector_load %arg5[%get3A_105, %get3A_106] {strides = array<i32>} : memref<80x128xi32, #tpu.memory_space<vmem>>, vector<1x16xi32>,
    %get3A_108 = vector.shape_cast %get3A_107 : vector<1x16xi32> to vector<16xi32>
    %shift_right_logical3A_109 = arith.constant 16 : i32
    %shift_right_logical3A_110 = vector.broadcast %shift_right_logical3A_109 : i32 to vector<16xi32>
    %shift_right_logical3A_111 = arith.shrui %get3A_108, %shift_right_logical3A_110 : vector<16xi32>
    %swap3A_112 = arith.constant 0 : i32
    %swap3A_113 = arith.index_cast %swap3A_112 : i32 to index
    %swap3A_114 = arith.constant 64 : index
    %swap3A_115 = tpu.vector_load %arg7[%swap3A_113, %swap3A_114] {strides = array<i32>} : memref<2x128xi32, #tpu.memory_space<vmem>>, vector<1x16xi32>,
    %swap3A_116 = vector.shape_cast %swap3A_115 : vector<1x16xi32> to vector<16xi32>
    %swap3A_117 = vector.shape_cast %shift_right_logical3A_111 : vector<16xi32> to vector<1x16xi32>
    tpu.vector_store %arg7[%swap3A_113, %swap3A_114], %swap3A_117 {strides = array<i32>} : memref<2x128xi32, #tpu.memory_space<vmem>>, vector<1x16xi32>,
    %and3A_118 = arith.constant 65535 : i32
    %and3A_119 = vector.broadcast %and3A_118 : i32 to vector<16xi32>
    %and3A_120 = arith.andi %get3A_108, %and3A_119 : vector<16xi32>
    %add3A_121 = vector.broadcast %mul3A_0 : i32 to vector<16xi32>
    %add3A_122 = arith.addi %and3A_120, %add3A_121 : vector<16xi32>
    %swap3A_123 = arith.constant 0 : i32
    %swap3A_124 = arith.index_cast %swap3A_123 : i32 to index
    %swap3A_125 = arith.constant 64 : index
    %swap3A_126 = tpu.vector_load %arg6[%swap3A_124, %swap3A_125] {strides = array<i32>} : memref<2x128xi32, #tpu.memory_space<vmem>>, vector<1x16xi32>,
    %swap3A_127 = vector.shape_cast %swap3A_126 : vector<1x16xi32> to vector<16xi32>
    %swap3A_128 = vector.shape_cast %add3A_122 : vector<16xi32> to vector<1x16xi32>
    tpu.vector_store %arg6[%swap3A_124, %swap3A_125], %swap3A_128 {strides = array<i32>} : memref<2x128xi32, #tpu.memory_space<vmem>>, vector<1x16xi32>,
    %get3A_129 = arith.constant 0 : i32
    %get3A_130 = arith.index_cast %get3A_129 : i32 to index
    %get3A_131 = arith.constant 80 : index
    %get3A_132 = tpu.vector_load %arg5[%get3A_130, %get3A_131] {strides = array<i32>} : memref<80x128xi32, #tpu.memory_space<vmem>>, vector<1x16xi32>,
    %get3A_133 = vector.shape_cast %get3A_132 : vector<1x16xi32> to vector<16xi32>
    %shift_right_logical3A_134 = arith.constant 16 : i32
    %shift_right_logical3A_135 = vector.broadcast %shift_right_logical3A_134 : i32 to vector<16xi32>
    %shift_right_logical3A_136 = arith.shrui %get3A_133, %shift_right_logical3A_135 : vector<16xi32>
    %swap3A_137 = arith.constant 0 : i32
    %swap3A_138 = arith.index_cast %swap3A_137 : i32 to index
    %swap3A_139 = arith.constant 80 : index
    %swap3A_140 = tpu.vector_load %arg7[%swap3A_138, %swap3A_139] {strides = array<i32>} : memref<2x128xi32, #tpu.memory_space<vmem>>, vector<1x16xi32>,
    %swap3A_141 = vector.shape_cast %swap3A_140 : vector<1x16xi32> to vector<16xi32>
    %swap3A_142 = vector.shape_cast %shift_right_logical3A_136 : vector<16xi32> to vector<1x16xi32>
    tpu.vector_store %arg7[%swap3A_138, %swap3A_139], %swap3A_142 {strides = array<i32>} : memref<2x128xi32, #tpu.memory_space<vmem>>, vector<1x16xi32>,
    %and3A_143 = arith.constant 65535 : i32
    %and3A_144 = vector.broadcast %and3A_143 : i32 to vector<16xi32>
    %and3A_145 = arith.andi %get3A_133, %and3A_144 : vector<16xi32>
    %add3A_146 = vector.broadcast %mul3A_0 : i32 to vector<16xi32>
    %add3A_147 = arith.addi %and3A_145, %add3A_146 : vector<16xi32>
    %swap3A_148 = arith.constant 0 : i32
    %swap3A_149 = arith.index_cast %swap3A_148 : i32 to index
    %swap3A_150 = arith.constant 80 : index
    %swap3A_151 = tpu.vector_load %arg6[%swap3A_149, %swap3A_150] {strides = array<i32>} : memref<2x128xi32, #tpu.memory_space<vmem>>, vector<1x16xi32>,
    %swap3A_152 = vector.shape_cast %swap3A_151 : vector<1x16xi32> to vector<16xi32>
    %swap3A_153 = vector.shape_cast %add3A_147 : vector<16xi32> to vector<1x16xi32>
    tpu.vector_store %arg6[%swap3A_149, %swap3A_150], %swap3A_153 {strides = array<i32>} : memref<2x128xi32, #tpu.memory_space<vmem>>, vector<1x16xi32>,
    %get3A_154 = arith.constant 0 : i32
    %get3A_155 = arith.index_cast %get3A_154 : i32 to index
    %get3A_156 = arith.constant 96 : index
    %get3A_157 = tpu.vector_load %arg5[%get3A_155, %get3A_156] {strides = array<i32>} : memref<80x128xi32, #tpu.memory_space<vmem>>, vector<1x16xi32>,
    %get3A_158 = vector.shape_cast %get3A_157 : vector<1x16xi32> to vector<16xi32>
    %shift_right_logical3A_159 = arith.constant 16 : i32
    %shift_right_logical3A_160 = vector.broadcast %shift_right_logical3A_159 : i32 to vector<16xi32>
    %shift_right_logical3A_161 = arith.shrui %get3A_158, %shift_right_logical3A_160 : vector<16xi32>
    %swap3A_162 = arith.constant 0 : i32
    %swap3A_163 = arith.index_cast %swap3A_162 : i32 to index
    %swap3A_164 = arith.constant 96 : index
    %swap3A_165 = tpu.vector_load %arg7[%swap3A_163, %swap3A_164] {strides = array<i32>} : memref<2x128xi32, #tpu.memory_space<vmem>>, vector<1x16xi32>,
    %swap3A_166 = vector.shape_cast %swap3A_165 : vector<1x16xi32> to vector<16xi32>
    %swap3A_167 = vector.shape_cast %shift_right_logical3A_161 : vector<16xi32> to vector<1x16xi32>
    tpu.vector_store %arg7[%swap3A_163, %swap3A_164], %swap3A_167 {strides = array<i32>} : memref<2x128xi32, #tpu.memory_space<vmem>>, vector<1x16xi32>,
    %and3A_168 = arith.constant 65535 : i32
    %and3A_169 = vector.broadcast %and3A_168 : i32 to vector<16xi32>
    %and3A_170 = arith.andi %get3A_158, %and3A_169 : vector<16xi32>
    %add3A_171 = vector.broadcast %mul3A_0 : i32 to vector<16xi32>
    %add3A_172 = arith.addi %and3A_170, %add3A_171 : vector<16xi32>
    %swap3A_173 = arith.constant 0 : i32
    %swap3A_174 = arith.index_cast %swap3A_173 : i32 to index
    %swap3A_175 = arith.constant 96 : index
    %swap3A_176 = tpu.vector_load %arg6[%swap3A_174, %swap3A_175] {strides = array<i32>} : memref<2x128xi32, #tpu.memory_space<vmem>>, vector<1x16xi32>,
    %swap3A_177 = vector.shape_cast %swap3A_176 : vector<1x16xi32> to vector<16xi32>
    %swap3A_178 = vector.shape_cast %add3A_172 : vector<16xi32> to vector<1x16xi32>
    tpu.vector_store %arg6[%swap3A_174, %swap3A_175], %swap3A_178 {strides = array<i32>} : memref<2x128xi32, #tpu.memory_space<vmem>>, vector<1x16xi32>,
    %get3A_179 = arith.constant 0 : i32
    %get3A_180 = arith.index_cast %get3A_179 : i32 to index
    %get3A_181 = arith.constant 112 : index
    %get3A_182 = tpu.vector_load %arg5[%get3A_180, %get3A_181] {strides = array<i32>} : memref<80x128xi32, #tpu.memory_space<vmem>>, vector<1x16xi32>,
    %get3A_183 = vector.shape_cast %get3A_182 : vector<1x16xi32> to vector<16xi32>
    %shift_right_logical3A_184 = arith.constant 16 : i32
    %shift_right_logical3A_185 = vector.broadcast %shift_right_logical3A_184 : i32 to vector<16xi32>
    %shift_right_logical3A_186 = arith.shrui %get3A_183, %shift_right_logical3A_185 : vector<16xi32>
    %swap3A_187 = arith.constant 0 : i32
    %swap3A_188 = arith.index_cast %swap3A_187 : i32 to index
    %swap3A_189 = arith.constant 112 : index
    %swap3A_190 = tpu.vector_load %arg7[%swap3A_188, %swap3A_189] {strides = array<i32>} : memref<2x128xi32, #tpu.memory_space<vmem>>, vector<1x16xi32>,
    %swap3A_191 = vector.shape_cast %swap3A_190 : vector<1x16xi32> to vector<16xi32>
    %swap3A_192 = vector.shape_cast %shift_right_logical3A_186 : vector<16xi32> to vector<1x16xi32>
    tpu.vector_store %arg7[%swap3A_188, %swap3A_189], %swap3A_192 {strides = array<i32>} : memref<2x128xi32, #tpu.memory_space<vmem>>, vector<1x16xi32>,
    %and3A_193 = arith.constant 65535 : i32
    %and3A_194 = vector.broadcast %and3A_193 : i32 to vector<16xi32>
    %and3A_195 = arith.andi %get3A_183, %and3A_194 : vector<16xi32>
    %add3A_196 = vector.broadcast %mul3A_0 : i32 to vector<16xi32>
    %add3A_197 = arith.addi %and3A_195, %add3A_196 : vector<16xi32>
    %swap3A_198 = arith.constant 0 : i32
    %swap3A_199 = arith.index_cast %swap3A_198 : i32 to index
    %swap3A_200 = arith.constant 112 : index
    %swap3A_201 = tpu.vector_load %arg6[%swap3A_199, %swap3A_200] {strides = array<i32>} : memref<2x128xi32, #tpu.memory_space<vmem>>, vector<1x16xi32>,
    %swap3A_202 = vector.shape_cast %swap3A_201 : vector<1x16xi32> to vector<16xi32>
    %swap3A_203 = vector.shape_cast %add3A_197 : vector<16xi32> to vector<1x16xi32>
    tpu.vector_store %arg6[%swap3A_199, %swap3A_200], %swap3A_203 {strides = array<i32>} : memref<2x128xi32, #tpu.memory_space<vmem>>, vector<1x16xi32>,
    %dma_start3A = arith.constant 0 : i32
    %dma_start3A_204 = arith.constant 0 : i32
    %dma_start3A_205 = arith.constant 0 : i32
    %dma_start3A_206 = arith.constant 0 : i32
    %dma_start3A_207 = tpu.memref_slice %arg8[%dma_start3A_204, %dma_start3A_205, %dma_start3A_206] : memref<2x128x128xf32, #tpu.memory_space<vmem>> -> memref<1x128x128xf32, #tpu.memory_space<vmem>>
    %dma_start3A_208 = tpu.memref_squeeze %dma_start3A_207 : memref<1x128x128xf32, #tpu.memory_space<vmem>> -> memref<128x128xf32, #tpu.memory_space<vmem>>
    %dma_start3A_209 = arith.constant 0 : i32
    %dma_start3A_210 = tpu.memref_slice %arg6[%dma_start3A, %dma_start3A_209] : memref<2x128xi32, #tpu.memory_space<vmem>> -> memref<1x128xi32, #tpu.memory_space<vmem>>
    %dma_start3A_211 = tpu.memref_squeeze %dma_start3A_210 : memref<1x128xi32, #tpu.memory_space<vmem>> -> memref<128xi32, #tpu.memory_space<vmem>>
    %dma_start3A_212 = arith.constant 0 : i32
    %dma_start3A_213 = arith.constant 0 : i32
    %dma_start3A_214 = tpu.memref_slice %arg2[%dma_start3A_212, %dma_start3A_213] : memref<20000x128xf32, #tpu.memory_space<hbm>> -> memref<20000x128xf32, #tpu.memory_space<hbm>>
    tpu.enqueue_indirect_dma source(%dma_start3A_214 : memref<20000x128xf32, #tpu.memory_space<hbm>>) target(%dma_start3A_208 : memref<128x128xf32, #tpu.memory_space<vmem>>) offsets(%dma_start3A_211 : memref<128xi32, #tpu.memory_space<vmem>>) semaphore(%arg10 : memref<!tpu.dma_semaphore, #tpu.memory_space<semaphore_mem>>)
    %get3A_215 = arith.constant 1 : i32
    %get3A_216 = arith.index_cast %get3A_215 : i32 to index
    %get3A_217 = arith.constant 0 : index
    %get3A_218 = tpu.vector_load %arg5[%get3A_216, %get3A_217] {strides = array<i32>} : memref<80x128xi32, #tpu.memory_space<vmem>>, vector<1x16xi32>,
    %get3A_219 = vector.shape_cast %get3A_218 : vector<1x16xi32> to vector<16xi32>
    %shift_right_logical3A_220 = arith.constant 16 : i32
    %shift_right_logical3A_221 = vector.broadcast %shift_right_logical3A_220 : i32 to vector<16xi32>
    %shift_right_logical3A_222 = arith.shrui %get3A_219, %shift_right_logical3A_221 : vector<16xi32>
    %swap3A_223 = arith.constant 1 : i32
    %swap3A_224 = arith.index_cast %swap3A_223 : i32 to index
    %swap3A_225 = arith.constant 0 : index
    %swap3A_226 = tpu.vector_load %arg7[%swap3A_224, %swap3A_225] {strides = array<i32>} : memref<2x128xi32, #tpu.memory_space<vmem>>, vector<1x16xi32>,
    %swap3A_227 = vector.shape_cast %swap3A_226 : vector<1x16xi32> to vector<16xi32>
    %swap3A_228 = vector.shape_cast %shift_right_logical3A_222 : vector<16xi32> to vector<1x16xi32>
    tpu.vector_store %arg7[%swap3A_224, %swap3A_225], %swap3A_228 {strides = array<i32>} : memref<2x128xi32, #tpu.memory_space<vmem>>, vector<1x16xi32>,
    %and3A_229 = arith.constant 65535 : i32
    %and3A_230 = vector.broadcast %and3A_229 : i32 to vector<16xi32>
    %and3A_231 = arith.andi %get3A_219, %and3A_230 : vector<16xi32>
    %add3A_232 = vector.broadcast %mul3A_0 : i32 to vector<16xi32>
    %add3A_233 = arith.addi %and3A_231, %add3A_232 : vector<16xi32>
    %swap3A_234 = arith.constant 1 : i32
    %swap3A_235 = arith.index_cast %swap3A_234 : i32 to index
    %swap3A_236 = arith.constant 0 : index
    %swap3A_237 = tpu.vector_load %arg6[%swap3A_235, %swap3A_236] {strides = array<i32>} : memref<2x128xi32, #tpu.memory_space<vmem>>, vector<1x16xi32>,
    %swap3A_238 = vector.shape_cast %swap3A_237 : vector<1x16xi32> to vector<16xi32>
    %swap3A_239 = vector.shape_cast %add3A_233 : vector<16xi32> to vector<1x16xi32>
    tpu.vector_store %arg6[%swap3A_235, %swap3A_236], %swap3A_239 {strides = array<i32>} : memref<2x128xi32, #tpu.memory_space<vmem>>, vector<1x16xi32>,
    %get3A_240 = arith.constant 1 : i32
    %get3A_241 = arith.index_cast %get3A_240 : i32 to index
    %get3A_242 = arith.constant 16 : index
    %get3A_243 = tpu.vector_load %arg5[%get3A_241, %get3A_242] {strides = array<i32>} : memref<80x128xi32, #tpu.memory_space<vmem>>, vector<1x16xi32>,
    %get3A_244 = vector.shape_cast %get3A_243 : vector<1x16xi32> to vector<16xi32>
    %shift_right_logical3A_245 = arith.constant 16 : i32
    %shift_right_logical3A_246 = vector.broadcast %shift_right_logical3A_245 : i32 to vector<16xi32>
    %shift_right_logical3A_247 = arith.shrui %get3A_244, %shift_right_logical3A_246 : vector<16xi32>
    %swap3A_248 = arith.constant 1 : i32
    %swap3A_249 = arith.index_cast %swap3A_248 : i32 to index
    %swap3A_250 = arith.constant 16 : index
    %swap3A_251 = tpu.vector_load %arg7[%swap3A_249, %swap3A_250] {strides = array<i32>} : memref<2x128xi32, #tpu.memory_space<vmem>>, vector<1x16xi32>,
    %swap3A_252 = vector.shape_cast %swap3A_251 : vector<1x16xi32> to vector<16xi32>
    %swap3A_253 = vector.shape_cast %shift_right_logical3A_247 : vector<16xi32> to vector<1x16xi32>
    tpu.vector_store %arg7[%swap3A_249, %swap3A_250], %swap3A_253 {strides = array<i32>} : memref<2x128xi32, #tpu.memory_space<vmem>>, vector<1x16xi32>,
    %and3A_254 = arith.constant 65535 : i32
    %and3A_255 = vector.broadcast %and3A_254 : i32 to vector<16xi32>
    %and3A_256 = arith.andi %get3A_244, %and3A_255 : vector<16xi32>
    %add3A_257 = vector.broadcast %mul3A_0 : i32 to vector<16xi32>
    %add3A_258 = arith.addi %and3A_256, %add3A_257 : vector<16xi32>
    %swap3A_259 = arith.constant 1 : i32
    %swap3A_260 = arith.index_cast %swap3A_259 : i32 to index
    %swap3A_261 = arith.constant 16 : index
    %swap3A_262 = tpu.vector_load %arg6[%swap3A_260, %swap3A_261] {strides = array<i32>} : memref<2x128xi32, #tpu.memory_space<vmem>>, vector<1x16xi32>,
    %swap3A_263 = vector.shape_cast %swap3A_262 : vector<1x16xi32> to vector<16xi32>
    %swap3A_264 = vector.shape_cast %add3A_258 : vector<16xi32> to vector<1x16xi32>
    tpu.vector_store %arg6[%swap3A_260, %swap3A_261], %swap3A_264 {strides = array<i32>} : memref<2x128xi32, #tpu.memory_space<vmem>>, vector<1x16xi32>,
    %get3A_265 = arith.constant 1 : i32
    %get3A_266 = arith.index_cast %get3A_265 : i32 to index
    %get3A_267 = arith.constant 32 : index
    %get3A_268 = tpu.vector_load %arg5[%get3A_266, %get3A_267] {strides = array<i32>} : memref<80x128xi32, #tpu.memory_space<vmem>>, vector<1x16xi32>,
    %get3A_269 = vector.shape_cast %get3A_268 : vector<1x16xi32> to vector<16xi32>
    %shift_right_logical3A_270 = arith.constant 16 : i32
    %shift_right_logical3A_271 = vector.broadcast %shift_right_logical3A_270 : i32 to vector<16xi32>
    %shift_right_logical3A_272 = arith.shrui %get3A_269, %shift_right_logical3A_271 : vector<16xi32>
    %swap3A_273 = arith.constant 1 : i32
    %swap3A_274 = arith.index_cast %swap3A_273 : i32 to index
    %swap3A_275 = arith.constant 32 : index
    %swap3A_276 = tpu.vector_load %arg7[%swap3A_274, %swap3A_275] {strides = array<i32>} : memref<2x128xi32, #tpu.memory_space<vmem>>, vector<1x16xi32>,
    %swap3A_277 = vector.shape_cast %swap3A_276 : vector<1x16xi32> to vector<16xi32>
    %swap3A_278 = vector.shape_cast %shift_right_logical3A_272 : vector<16xi32> to vector<1x16xi32>
    tpu.vector_store %arg7[%swap3A_274, %swap3A_275], %swap3A_278 {strides = array<i32>} : memref<2x128xi32, #tpu.memory_space<vmem>>, vector<1x16xi32>,
    %and3A_279 = arith.constant 65535 : i32
    %and3A_280 = vector.broadcast %and3A_279 : i32 to vector<16xi32>
    %and3A_281 = arith.andi %get3A_269, %and3A_280 : vector<16xi32>
    %add3A_282 = vector.broadcast %mul3A_0 : i32 to vector<16xi32>
    %add3A_283 = arith.addi %and3A_281, %add3A_282 : vector<16xi32>
    %swap3A_284 = arith.constant 1 : i32
    %swap3A_285 = arith.index_cast %swap3A_284 : i32 to index
    %swap3A_286 = arith.constant 32 : index
    %swap3A_287 = tpu.vector_load %arg6[%swap3A_285, %swap3A_286] {strides = array<i32>} : memref<2x128xi32, #tpu.memory_space<vmem>>, vector<1x16xi32>,
    %swap3A_288 = vector.shape_cast %swap3A_287 : vector<1x16xi32> to vector<16xi32>
    %swap3A_289 = vector.shape_cast %add3A_283 : vector<16xi32> to vector<1x16xi32>
    tpu.vector_store %arg6[%swap3A_285, %swap3A_286], %swap3A_289 {strides = array<i32>} : memref<2x128xi32, #tpu.memory_space<vmem>>, vector<1x16xi32>,
    %get3A_290 = arith.constant 1 : i32
    %get3A_291 = arith.index_cast %get3A_290 : i32 to index
    %get3A_292 = arith.constant 48 : index
    %get3A_293 = tpu.vector_load %arg5[%get3A_291, %get3A_292] {strides = array<i32>} : memref<80x128xi32, #tpu.memory_space<vmem>>, vector<1x16xi32>,
    %get3A_294 = vector.shape_cast %get3A_293 : vector<1x16xi32> to vector<16xi32>
    %shift_right_logical3A_295 = arith.constant 16 : i32
    %shift_right_logical3A_296 = vector.broadcast %shift_right_logical3A_295 : i32 to vector<16xi32>
    %shift_right_logical3A_297 = arith.shrui %get3A_294, %shift_right_logical3A_296 : vector<16xi32>
    %swap3A_298 = arith.constant 1 : i32
    %swap3A_299 = arith.index_cast %swap3A_298 : i32 to index
    %swap3A_300 = arith.constant 48 : index
    %swap3A_301 = tpu.vector_load %arg7[%swap3A_299, %swap3A_300] {strides = array<i32>} : memref<2x128xi32, #tpu.memory_space<vmem>>, vector<1x16xi32>,
    %swap3A_302 = vector.shape_cast %swap3A_301 : vector<1x16xi32> to vector<16xi32>
    %swap3A_303 = vector.shape_cast %shift_right_logical3A_297 : vector<16xi32> to vector<1x16xi32>
    tpu.vector_store %arg7[%swap3A_299, %swap3A_300], %swap3A_303 {strides = array<i32>} : memref<2x128xi32, #tpu.memory_space<vmem>>, vector<1x16xi32>,
    %and3A_304 = arith.constant 65535 : i32
    %and3A_305 = vector.broadcast %and3A_304 : i32 to vector<16xi32>
    %and3A_306 = arith.andi %get3A_294, %and3A_305 : vector<16xi32>
    %add3A_307 = vector.broadcast %mul3A_0 : i32 to vector<16xi32>
    %add3A_308 = arith.addi %and3A_306, %add3A_307 : vector<16xi32>
    %swap3A_309 = arith.constant 1 : i32
    %swap3A_310 = arith.index_cast %swap3A_309 : i32 to index
    %swap3A_311 = arith.constant 48 : index
    %swap3A_312 = tpu.vector_load %arg6[%swap3A_310, %swap3A_311] {strides = array<i32>} : memref<2x128xi32, #tpu.memory_space<vmem>>, vector<1x16xi32>,
    %swap3A_313 = vector.shape_cast %swap3A_312 : vector<1x16xi32> to vector<16xi32>
    %swap3A_314 = vector.shape_cast %add3A_308 : vector<16xi32> to vector<1x16xi32>
    tpu.vector_store %arg6[%swap3A_310, %swap3A_311], %swap3A_314 {strides = array<i32>} : memref<2x128xi32, #tpu.memory_space<vmem>>, vector<1x16xi32>,
    %get3A_315 = arith.constant 1 : i32
    %get3A_316 = arith.index_cast %get3A_315 : i32 to index
    %get3A_317 = arith.constant 64 : index
    %get3A_318 = tpu.vector_load %arg5[%get3A_316, %get3A_317] {strides = array<i32>} : memref<80x128xi32, #tpu.memory_space<vmem>>, vector<1x16xi32>,
    %get3A_319 = vector.shape_cast %get3A_318 : vector<1x16xi32> to vector<16xi32>
    %shift_right_logical3A_320 = arith.constant 16 : i32
    %shift_right_logical3A_321 = vector.broadcast %shift_right_logical3A_320 : i32 to vector<16xi32>
    %shift_right_logical3A_322 = arith.shrui %get3A_319, %shift_right_logical3A_321 : vector<16xi32>
    %swap3A_323 = arith.constant 1 : i32
    %swap3A_324 = arith.index_cast %swap3A_323 : i32 to index
    %swap3A_325 = arith.constant 64 : index
    %swap3A_326 = tpu.vector_load %arg7[%swap3A_324, %swap3A_325] {strides = array<i32>} : memref<2x128xi32, #tpu.memory_space<vmem>>, vector<1x16xi32>,
    %swap3A_327 = vector.shape_cast %swap3A_326 : vector<1x16xi32> to vector<16xi32>
    %swap3A_328 = vector.shape_cast %shift_right_logical3A_322 : vector<16xi32> to vector<1x16xi32>
    tpu.vector_store %arg7[%swap3A_324, %swap3A_325], %swap3A_328 {strides = array<i32>} : memref<2x128xi32, #tpu.memory_space<vmem>>, vector<1x16xi32>,
    %and3A_329 = arith.constant 65535 : i32
    %and3A_330 = vector.broadcast %and3A_329 : i32 to vector<16xi32>
    %and3A_331 = arith.andi %get3A_319, %and3A_330 : vector<16xi32>
    %add3A_332 = vector.broadcast %mul3A_0 : i32 to vector<16xi32>
    %add3A_333 = arith.addi %and3A_331, %add3A_332 : vector<16xi32>
    %swap3A_334 = arith.constant 1 : i32
    %swap3A_335 = arith.index_cast %swap3A_334 : i32 to index
    %swap3A_336 = arith.constant 64 : index
    %swap3A_337 = tpu.vector_load %arg6[%swap3A_335, %swap3A_336] {strides = array<i32>} : memref<2x128xi32, #tpu.memory_space<vmem>>, vector<1x16xi32>,
    %swap3A_338 = vector.shape_cast %swap3A_337 : vector<1x16xi32> to vector<16xi32>
    %swap3A_339 = vector.shape_cast %add3A_333 : vector<16xi32> to vector<1x16xi32>
    tpu.vector_store %arg6[%swap3A_335, %swap3A_336], %swap3A_339 {strides = array<i32>} : memref<2x128xi32, #tpu.memory_space<vmem>>, vector<1x16xi32>,
    %get3A_340 = arith.constant 1 : i32
    %get3A_341 = arith.index_cast %get3A_340 : i32 to index
    %get3A_342 = arith.constant 80 : index
    %get3A_343 = tpu.vector_load %arg5[%get3A_341, %get3A_342] {strides = array<i32>} : memref<80x128xi32, #tpu.memory_space<vmem>>, vector<1x16xi32>,
    %get3A_344 = vector.shape_cast %get3A_343 : vector<1x16xi32> to vector<16xi32>
    %shift_right_logical3A_345 = arith.constant 16 : i32
    %shift_right_logical3A_346 = vector.broadcast %shift_right_logical3A_345 : i32 to vector<16xi32>
    %shift_right_logical3A_347 = arith.shrui %get3A_344, %shift_right_logical3A_346 : vector<16xi32>
    %swap3A_348 = arith.constant 1 : i32
    %swap3A_349 = arith.index_cast %swap3A_348 : i32 to index
    %swap3A_350 = arith.constant 80 : index
    %swap3A_351 = tpu.vector_load %arg7[%swap3A_349, %swap3A_350] {strides = array<i32>} : memref<2x128xi32, #tpu.memory_space<vmem>>, vector<1x16xi32>,
    %swap3A_352 = vector.shape_cast %swap3A_351 : vector<1x16xi32> to vector<16xi32>
    %swap3A_353 = vector.shape_cast %shift_right_logical3A_347 : vector<16xi32> to vector<1x16xi32>
    tpu.vector_store %arg7[%swap3A_349, %swap3A_350], %swap3A_353 {strides = array<i32>} : memref<2x128xi32, #tpu.memory_space<vmem>>, vector<1x16xi32>,
    %and3A_354 = arith.constant 65535 : i32
    %and3A_355 = vector.broadcast %and3A_354 : i32 to vector<16xi32>
    %and3A_356 = arith.andi %get3A_344, %and3A_355 : vector<16xi32>
    %add3A_357 = vector.broadcast %mul3A_0 : i32 to vector<16xi32>
    %add3A_358 = arith.addi %and3A_356, %add3A_357 : vector<16xi32>
    %swap3A_359 = arith.constant 1 : i32
    %swap3A_360 = arith.index_cast %swap3A_359 : i32 to index
    %swap3A_361 = arith.constant 80 : index
    %swap3A_362 = tpu.vector_load %arg6[%swap3A_360, %swap3A_361] {strides = array<i32>} : memref<2x128xi32, #tpu.memory_space<vmem>>, vector<1x16xi32>,
    %swap3A_363 = vector.shape_cast %swap3A_362 : vector<1x16xi32> to vector<16xi32>
    %swap3A_364 = vector.shape_cast %add3A_358 : vector<16xi32> to vector<1x16xi32>
    tpu.vector_store %arg6[%swap3A_360, %swap3A_361], %swap3A_364 {strides = array<i32>} : memref<2x128xi32, #tpu.memory_space<vmem>>, vector<1x16xi32>,
    %get3A_365 = arith.constant 1 : i32
    %get3A_366 = arith.index_cast %get3A_365 : i32 to index
    %get3A_367 = arith.constant 96 : index
    %get3A_368 = tpu.vector_load %arg5[%get3A_366, %get3A_367] {strides = array<i32>} : memref<80x128xi32, #tpu.memory_space<vmem>>, vector<1x16xi32>,
    %get3A_369 = vector.shape_cast %get3A_368 : vector<1x16xi32> to vector<16xi32>
    %shift_right_logical3A_370 = arith.constant 16 : i32
    %shift_right_logical3A_371 = vector.broadcast %shift_right_logical3A_370 : i32 to vector<16xi32>
    %shift_right_logical3A_372 = arith.shrui %get3A_369, %shift_right_logical3A_371 : vector<16xi32>
    %swap3A_373 = arith.constant 1 : i32
    %swap3A_374 = arith.index_cast %swap3A_373 : i32 to index
    %swap3A_375 = arith.constant 96 : index
    %swap3A_376 = tpu.vector_load %arg7[%swap3A_374, %swap3A_375] {strides = array<i32>} : memref<2x128xi32, #tpu.memory_space<vmem>>, vector<1x16xi32>,
    %swap3A_377 = vector.shape_cast %swap3A_376 : vector<1x16xi32> to vector<16xi32>
    %swap3A_378 = vector.shape_cast %shift_right_logical3A_372 : vector<16xi32> to vector<1x16xi32>
    tpu.vector_store %arg7[%swap3A_374, %swap3A_375], %swap3A_378 {strides = array<i32>} : memref<2x128xi32, #tpu.memory_space<vmem>>, vector<1x16xi32>,
    %and3A_379 = arith.constant 65535 : i32
    %and3A_380 = vector.broadcast %and3A_379 : i32 to vector<16xi32>
    %and3A_381 = arith.andi %get3A_369, %and3A_380 : vector<16xi32>
    %add3A_382 = vector.broadcast %mul3A_0 : i32 to vector<16xi32>
    %add3A_383 = arith.addi %and3A_381, %add3A_382 : vector<16xi32>
    %swap3A_384 = arith.constant 1 : i32
    %swap3A_385 = arith.index_cast %swap3A_384 : i32 to index
    %swap3A_386 = arith.constant 96 : index
    %swap3A_387 = tpu.vector_load %arg6[%swap3A_385, %swap3A_386] {strides = array<i32>} : memref<2x128xi32, #tpu.memory_space<vmem>>, vector<1x16xi32>,
    %swap3A_388 = vector.shape_cast %swap3A_387 : vector<1x16xi32> to vector<16xi32>
    %swap3A_389 = vector.shape_cast %add3A_383 : vector<16xi32> to vector<1x16xi32>
    tpu.vector_store %arg6[%swap3A_385, %swap3A_386], %swap3A_389 {strides = array<i32>} : memref<2x128xi32, #tpu.memory_space<vmem>>, vector<1x16xi32>,
    %get3A_390 = arith.constant 1 : i32
    %get3A_391 = arith.index_cast %get3A_390 : i32 to index
    %get3A_392 = arith.constant 112 : index
    %get3A_393 = tpu.vector_load %arg5[%get3A_391, %get3A_392] {strides = array<i32>} : memref<80x128xi32, #tpu.memory_space<vmem>>, vector<1x16xi32>,
    %get3A_394 = vector.shape_cast %get3A_393 : vector<1x16xi32> to vector<16xi32>
    %shift_right_logical3A_395 = arith.constant 16 : i32
    %shift_right_logical3A_396 = vector.broadcast %shift_right_logical3A_395 : i32 to vector<16xi32>
    %shift_right_logical3A_397 = arith.shrui %get3A_394, %shift_right_logical3A_396 : vector<16xi32>
    %swap3A_398 = arith.constant 1 : i32
    %swap3A_399 = arith.index_cast %swap3A_398 : i32 to index
    %swap3A_400 = arith.constant 112 : index
    %swap3A_401 = tpu.vector_load %arg7[%swap3A_399, %swap3A_400] {strides = array<i32>} : memref<2x128xi32, #tpu.memory_space<vmem>>, vector<1x16xi32>,
    %swap3A_402 = vector.shape_cast %swap3A_401 : vector<1x16xi32> to vector<16xi32>
    %swap3A_403 = vector.shape_cast %shift_right_logical3A_397 : vector<16xi32> to vector<1x16xi32>
    tpu.vector_store %arg7[%swap3A_399, %swap3A_400], %swap3A_403 {strides = array<i32>} : memref<2x128xi32, #tpu.memory_space<vmem>>, vector<1x16xi32>,
    %and3A_404 = arith.constant 65535 : i32
    %and3A_405 = vector.broadcast %and3A_404 : i32 to vector<16xi32>
    %and3A_406 = arith.andi %get3A_394, %and3A_405 : vector<16xi32>
    %add3A_407 = vector.broadcast %mul3A_0 : i32 to vector<16xi32>
    %add3A_408 = arith.addi %and3A_406, %add3A_407 : vector<16xi32>
    %swap3A_409 = arith.constant 1 : i32
    %swap3A_410 = arith.index_cast %swap3A_409 : i32 to index
    %swap3A_411 = arith.constant 112 : index
    %swap3A_412 = tpu.vector_load %arg6[%swap3A_410, %swap3A_411] {strides = array<i32>} : memref<2x128xi32, #tpu.memory_space<vmem>>, vector<1x16xi32>,
    %swap3A_413 = vector.shape_cast %swap3A_412 : vector<1x16xi32> to vector<16xi32>
    %swap3A_414 = vector.shape_cast %add3A_408 : vector<16xi32> to vector<1x16xi32>
    tpu.vector_store %arg6[%swap3A_410, %swap3A_411], %swap3A_414 {strides = array<i32>} : memref<2x128xi32, #tpu.memory_space<vmem>>, vector<1x16xi32>,
    %dma_start3A_415 = arith.constant 1 : i32
    %dma_start3A_416 = arith.constant 1 : i32
    %dma_start3A_417 = arith.constant 0 : i32
    %dma_start3A_418 = arith.constant 0 : i32
    %dma_start3A_419 = tpu.memref_slice %arg8[%dma_start3A_416, %dma_start3A_417, %dma_start3A_418] : memref<2x128x128xf32, #tpu.memory_space<vmem>> -> memref<1x128x128xf32, #tpu.memory_space<vmem>>
    %dma_start3A_420 = tpu.memref_squeeze %dma_start3A_419 : memref<1x128x128xf32, #tpu.memory_space<vmem>> -> memref<128x128xf32, #tpu.memory_space<vmem>>
    %dma_start3A_421 = arith.constant 0 : i32
    %dma_start3A_422 = tpu.memref_slice %arg6[%dma_start3A_415, %dma_start3A_421] : memref<2x128xi32, #tpu.memory_space<vmem>> -> memref<1x128xi32, #tpu.memory_space<vmem>>
    %dma_start3A_423 = tpu.memref_squeeze %dma_start3A_422 : memref<1x128xi32, #tpu.memory_space<vmem>> -> memref<128xi32, #tpu.memory_space<vmem>>
    %dma_start3A_424 = arith.constant 0 : i32
    %dma_start3A_425 = arith.constant 0 : i32
    %dma_start3A_426 = tpu.memref_slice %arg2[%dma_start3A_424, %dma_start3A_425] : memref<20000x128xf32, #tpu.memory_space<hbm>> -> memref<20000x128xf32, #tpu.memory_space<hbm>>
    tpu.enqueue_indirect_dma source(%dma_start3A_426 : memref<20000x128xf32, #tpu.memory_space<hbm>>) target(%dma_start3A_420 : memref<128x128xf32, #tpu.memory_space<vmem>>) offsets(%dma_start3A_423 : memref<128xi32, #tpu.memory_space<vmem>>) semaphore(%arg11 : memref<!tpu.dma_semaphore, #tpu.memory_space<semaphore_mem>>)
    %scan3A = arith.constant 0 : i32
    %scan3A_427 = arith.constant 0 : i32
    %scan3A_428 = arith.constant 40 : i32
    %scan3A_429 = arith.addi %scan3A_427, %scan3A_428 : i32
    %scan3A_430 = arith.constant 1 : i32
    %scan3A_431 = scf.for %scan3A_444 = %scan3A_427 to %scan3A_429 step %scan3A_430 iter_args(%scan3A_445 = %scan3A) -> (i32)  : i32 {
      %mul3A_446 = arith.constant 2 : i32
      %mul3A_447 = arith.muli %mul3A_446, %scan3A_444 : i32
      %add3A_448 = arith.constant 0 : i32
      %add3A_449 = arith.addi %mul3A_447, %add3A_448 : i32
      %dma_wait3A = arith.constant 0 : i32
      %dma_wait3A_450 = arith.constant 0 : i32
      %dma_wait3A_451 = arith.constant 0 : i32
      %dma_wait3A_452 = arith.constant 0 : i32
      %dma_wait3A_453 = tpu.memref_slice %arg8[%dma_wait3A_450, %dma_wait3A_451, %dma_wait3A_452] : memref<2x128x128xf32, #tpu.memory_space<vmem>> -> memref<1x128x128xf32, #tpu.memory_space<vmem>>
      %dma_wait3A_454 = tpu.memref_squeeze %dma_wait3A_453 : memref<1x128x128xf32, #tpu.memory_space<vmem>> -> memref<128x128xf32, #tpu.memory_space<vmem>>
      %dma_wait3A_455 = arith.constant 0 : i32
      %dma_wait3A_456 = tpu.memref_slice %arg6[%dma_wait3A, %dma_wait3A_455] : memref<2x128xi32, #tpu.memory_space<vmem>> -> memref<1x128xi32, #tpu.memory_space<vmem>>
      %dma_wait3A_457 = tpu.memref_squeeze %dma_wait3A_456 : memref<1x128xi32, #tpu.memory_space<vmem>> -> memref<128xi32, #tpu.memory_space<vmem>>
      %dma_wait3A_458 = arith.constant 0 : i32
      %dma_wait3A_459 = arith.constant 0 : i32
      %dma_wait3A_460 = tpu.memref_slice %arg2[%dma_wait3A_458, %dma_wait3A_459] : memref<20000x128xf32, #tpu.memory_space<hbm>> -> memref<20000x128xf32, #tpu.memory_space<hbm>>
      tpu.wait_indirect_dma semaphore(%arg10 : memref<!tpu.dma_semaphore, #tpu.memory_space<semaphore_mem>>) src(%dma_wait3A_460 : memref<20000x128xf32, #tpu.memory_space<hbm>>) dst(%dma_wait3A_454 : memref<128x128xf32, #tpu.memory_space<vmem>>)
      %run_scoped3A = arith.constant 0 : i32
      %run_scoped3A_461 = arith.constant 0 : i32
      "tpu.region"() ({
        %run_scoped3A_495 = tpu.sem_alloc : memref<!tpu.dma_semaphore, #tpu.memory_space<semaphore_mem>>
        %dma_start3A_496 = arith.constant 0 : i32
        %dma_start3A_497 = arith.constant 0 : i32
        %dma_start3A_498 = tpu.memref_slice %arg8[%run_scoped3A, %dma_start3A_496, %dma_start3A_497] : memref<2x128x128xf32, #tpu.memory_space<vmem>> -> memref<1x128x128xf32, #tpu.memory_space<vmem>>
        %dma_start3A_499 = tpu.memref_squeeze %dma_start3A_498 : memref<1x128x128xf32, #tpu.memory_space<vmem>> -> memref<128x128xf32, #tpu.memory_space<vmem>>
        %dma_start3A_500 = arith.constant 0 : i32
        %dma_start3A_501 = tpu.memref_slice %arg7[%run_scoped3A_461, %dma_start3A_500] : memref<2x128xi32, #tpu.memory_space<vmem>> -> memref<1x128xi32, #tpu.memory_space<vmem>>
        %dma_start3A_502 = tpu.memref_squeeze %dma_start3A_501 : memref<1x128xi32, #tpu.memory_space<vmem>> -> memref<128xi32, #tpu.memory_space<vmem>>
        %dma_start3A_503 = arith.constant 0 : i32
        %dma_start3A_504 = arith.constant 0 : i32
        %dma_start3A_505 = tpu.memref_slice %arg9[%dma_start3A_503, %dma_start3A_504] : memref<10240x128xf32, #tpu.memory_space<vmem_shared>> -> memref<10240x128xf32, #tpu.memory_space<vmem_shared>>
        tpu.enqueue_indirect_dma source(%dma_start3A_499 : memref<128x128xf32, #tpu.memory_space<vmem>>) target(%dma_start3A_505 : memref<10240x128xf32, #tpu.memory_space<vmem_shared>>) offsets(%dma_start3A_502 : memref<128xi32, #tpu.memory_space<vmem>>) semaphore(%run_scoped3A_495 : memref<!tpu.dma_semaphore, #tpu.memory_space<semaphore_mem>>) {add = true}
        %dma_wait3A_506 = arith.constant 0 : i32
        %dma_wait3A_507 = arith.constant 0 : i32
        %dma_wait3A_508 = tpu.memref_slice %arg8[%run_scoped3A, %dma_wait3A_506, %dma_wait3A_507] : memref<2x128x128xf32, #tpu.memory_space<vmem>> -> memref<1x128x128xf32, #tpu.memory_space<vmem>>
        %dma_wait3A_509 = tpu.memref_squeeze %dma_wait3A_508 : memref<1x128x128xf32, #tpu.memory_space<vmem>> -> memref<128x128xf32, #tpu.memory_space<vmem>>
        %dma_wait3A_510 = arith.constant 0 : i32
        %dma_wait3A_511 = tpu.memref_slice %arg7[%run_scoped3A_461, %dma_wait3A_510] : memref<2x128xi32, #tpu.memory_space<vmem>> -> memref<1x128xi32, #tpu.memory_space<vmem>>
        %dma_wait3A_512 = tpu.memref_squeeze %dma_wait3A_511 : memref<1x128xi32, #tpu.memory_space<vmem>> -> memref<128xi32, #tpu.memory_space<vmem>>
        %dma_wait3A_513 = arith.constant 0 : i32
        %dma_wait3A_514 = arith.constant 0 : i32
        %dma_wait3A_515 = tpu.memref_slice %arg9[%dma_wait3A_513, %dma_wait3A_514] : memref<10240x128xf32, #tpu.memory_space<vmem_shared>> -> memref<10240x128xf32, #tpu.memory_space<vmem_shared>>
        tpu.wait_indirect_dma semaphore(%run_scoped3A_495 : memref<!tpu.dma_semaphore, #tpu.memory_space<semaphore_mem>>) src(%dma_wait3A_509 : memref<128x128xf32, #tpu.memory_space<vmem>>) dst(%dma_wait3A_515 : memref<10240x128xf32, #tpu.memory_space<vmem_shared>>)
        tpu.yield
      }) : () -> ()
      %add3A_462 = arith.constant 2 : i32
      %add3A_463 = arith.addi %add3A_449, %add3A_462 : i32
      %lt3A_464 = arith.constant 80 : i32
      %lt3A_465 = arith.cmpi slt, %add3A_463, %lt3A_464 : i32
      %convert_element_type3A_466 = arith.extui %lt3A_465 : i1 to i32
      %cond3A_467 = arith.constant 0 : i32
      %cond3A_468 = arith.cmpi ne, %convert_element_type3A_466, %cond3A_467 : i32
      scf.if %cond3A_468 {
        %add3A_495 = arith.constant 2 : i32
        %add3A_496 = arith.addi %add3A_449, %add3A_495 : i32
        %get3A_497 = arith.index_cast %add3A_496 : i32 to index
        %get3A_498 = arith.constant 0 : index
        %get3A_499 = tpu.vector_load %arg5[%get3A_497, %get3A_498] {strides = array<i32>} : memref<80x128xi32, #tpu.memory_space<vmem>>, vector<1x16xi32>,
        %get3A_500 = vector.shape_cast %get3A_499 : vector<1x16xi32> to vector<16xi32>
        %shift_right_logical3A_501 = arith.constant 16 : i32
        %shift_right_logical3A_502 = vector.broadcast %shift_right_logical3A_501 : i32 to vector<16xi32>
        %shift_right_logical3A_503 = arith.shrui %get3A_500, %shift_right_logical3A_502 : vector<16xi32>
        %swap3A_504 = arith.constant 0 : i32
        %swap3A_505 = arith.index_cast %swap3A_504 : i32 to index
        %swap3A_506 = arith.constant 0 : index
        %swap3A_507 = tpu.vector_load %arg7[%swap3A_505, %swap3A_506] {strides = array<i32>} : memref<2x128xi32, #tpu.memory_space<vmem>>, vector<1x16xi32>,
        %swap3A_508 = vector.shape_cast %swap3A_507 : vector<1x16xi32> to vector<16xi32>
        %swap3A_509 = vector.shape_cast %shift_right_logical3A_503 : vector<16xi32> to vector<1x16xi32>
        tpu.vector_store %arg7[%swap3A_505, %swap3A_506], %swap3A_509 {strides = array<i32>} : memref<2x128xi32, #tpu.memory_space<vmem>>, vector<1x16xi32>,
        %and3A_510 = arith.constant 65535 : i32
        %and3A_511 = vector.broadcast %and3A_510 : i32 to vector<16xi32>
        %and3A_512 = arith.andi %get3A_500, %and3A_511 : vector<16xi32>
        %add3A_513 = vector.broadcast %mul3A_0 : i32 to vector<16xi32>
        %add3A_514 = arith.addi %and3A_512, %add3A_513 : vector<16xi32>
        %swap3A_515 = arith.constant 0 : i32
        %swap3A_516 = arith.index_cast %swap3A_515 : i32 to index
        %swap3A_517 = arith.constant 0 : index
        %swap3A_518 = tpu.vector_load %arg6[%swap3A_516, %swap3A_517] {strides = array<i32>} : memref<2x128xi32, #tpu.memory_space<vmem>>, vector<1x16xi32>,
        %swap3A_519 = vector.shape_cast %swap3A_518 : vector<1x16xi32> to vector<16xi32>
        %swap3A_520 = vector.shape_cast %add3A_514 : vector<16xi32> to vector<1x16xi32>
        tpu.vector_store %arg6[%swap3A_516, %swap3A_517], %swap3A_520 {strides = array<i32>} : memref<2x128xi32, #tpu.memory_space<vmem>>, vector<1x16xi32>,
        %get3A_521 = arith.index_cast %add3A_496 : i32 to index
        %get3A_522 = arith.constant 16 : index
        %get3A_523 = tpu.vector_load %arg5[%get3A_521, %get3A_522] {strides = array<i32>} : memref<80x128xi32, #tpu.memory_space<vmem>>, vector<1x16xi32>,
        %get3A_524 = vector.shape_cast %get3A_523 : vector<1x16xi32> to vector<16xi32>
        %shift_right_logical3A_525 = arith.constant 16 : i32
        %shift_right_logical3A_526 = vector.broadcast %shift_right_logical3A_525 : i32 to vector<16xi32>
        %shift_right_logical3A_527 = arith.shrui %get3A_524, %shift_right_logical3A_526 : vector<16xi32>
        %swap3A_528 = arith.constant 0 : i32
        %swap3A_529 = arith.index_cast %swap3A_528 : i32 to index
        %swap3A_530 = arith.constant 16 : index
        %swap3A_531 = tpu.vector_load %arg7[%swap3A_529, %swap3A_530] {strides = array<i32>} : memref<2x128xi32, #tpu.memory_space<vmem>>, vector<1x16xi32>,
        %swap3A_532 = vector.shape_cast %swap3A_531 : vector<1x16xi32> to vector<16xi32>
        %swap3A_533 = vector.shape_cast %shift_right_logical3A_527 : vector<16xi32> to vector<1x16xi32>
        tpu.vector_store %arg7[%swap3A_529, %swap3A_530], %swap3A_533 {strides = array<i32>} : memref<2x128xi32, #tpu.memory_space<vmem>>, vector<1x16xi32>,
        %and3A_534 = arith.constant 65535 : i32
        %and3A_535 = vector.broadcast %and3A_534 : i32 to vector<16xi32>
        %and3A_536 = arith.andi %get3A_524, %and3A_535 : vector<16xi32>
        %add3A_537 = vector.broadcast %mul3A_0 : i32 to vector<16xi32>
        %add3A_538 = arith.addi %and3A_536, %add3A_537 : vector<16xi32>
        %swap3A_539 = arith.constant 0 : i32
        %swap3A_540 = arith.index_cast %swap3A_539 : i32 to index
        %swap3A_541 = arith.constant 16 : index
        %swap3A_542 = tpu.vector_load %arg6[%swap3A_540, %swap3A_541] {strides = array<i32>} : memref<2x128xi32, #tpu.memory_space<vmem>>, vector<1x16xi32>,
        %swap3A_543 = vector.shape_cast %swap3A_542 : vector<1x16xi32> to vector<16xi32>
        %swap3A_544 = vector.shape_cast %add3A_538 : vector<16xi32> to vector<1x16xi32>
        tpu.vector_store %arg6[%swap3A_540, %swap3A_541], %swap3A_544 {strides = array<i32>} : memref<2x128xi32, #tpu.memory_space<vmem>>, vector<1x16xi32>,
        %get3A_545 = arith.index_cast %add3A_496 : i32 to index
        %get3A_546 = arith.constant 32 : index
        %get3A_547 = tpu.vector_load %arg5[%get3A_545, %get3A_546] {strides = array<i32>} : memref<80x128xi32, #tpu.memory_space<vmem>>, vector<1x16xi32>,
        %get3A_548 = vector.shape_cast %get3A_547 : vector<1x16xi32> to vector<16xi32>
        %shift_right_logical3A_549 = arith.constant 16 : i32
        %shift_right_logical3A_550 = vector.broadcast %shift_right_logical3A_549 : i32 to vector<16xi32>
        %shift_right_logical3A_551 = arith.shrui %get3A_548, %shift_right_logical3A_550 : vector<16xi32>
        %swap3A_552 = arith.constant 0 : i32
        %swap3A_553 = arith.index_cast %swap3A_552 : i32 to index
        %swap3A_554 = arith.constant 32 : index
        %swap3A_555 = tpu.vector_load %arg7[%swap3A_553, %swap3A_554] {strides = array<i32>} : memref<2x128xi32, #tpu.memory_space<vmem>>, vector<1x16xi32>,
        %swap3A_556 = vector.shape_cast %swap3A_555 : vector<1x16xi32> to vector<16xi32>
        %swap3A_557 = vector.shape_cast %shift_right_logical3A_551 : vector<16xi32> to vector<1x16xi32>
        tpu.vector_store %arg7[%swap3A_553, %swap3A_554], %swap3A_557 {strides = array<i32>} : memref<2x128xi32, #tpu.memory_space<vmem>>, vector<1x16xi32>,
        %and3A_558 = arith.constant 65535 : i32
        %and3A_559 = vector.broadcast %and3A_558 : i32 to vector<16xi32>
        %and3A_560 = arith.andi %get3A_548, %and3A_559 : vector<16xi32>
        %add3A_561 = vector.broadcast %mul3A_0 : i32 to vector<16xi32>
        %add3A_562 = arith.addi %and3A_560, %add3A_561 : vector<16xi32>
        %swap3A_563 = arith.constant 0 : i32
        %swap3A_564 = arith.index_cast %swap3A_563 : i32 to index
        %swap3A_565 = arith.constant 32 : index
        %swap3A_566 = tpu.vector_load %arg6[%swap3A_564, %swap3A_565] {strides = array<i32>} : memref<2x128xi32, #tpu.memory_space<vmem>>, vector<1x16xi32>,
        %swap3A_567 = vector.shape_cast %swap3A_566 : vector<1x16xi32> to vector<16xi32>
        %swap3A_568 = vector.shape_cast %add3A_562 : vector<16xi32> to vector<1x16xi32>
        tpu.vector_store %arg6[%swap3A_564, %swap3A_565], %swap3A_568 {strides = array<i32>} : memref<2x128xi32, #tpu.memory_space<vmem>>, vector<1x16xi32>,
        %get3A_569 = arith.index_cast %add3A_496 : i32 to index
        %get3A_570 = arith.constant 48 : index
        %get3A_571 = tpu.vector_load %arg5[%get3A_569, %get3A_570] {strides = array<i32>} : memref<80x128xi32, #tpu.memory_space<vmem>>, vector<1x16xi32>,
        %get3A_572 = vector.shape_cast %get3A_571 : vector<1x16xi32> to vector<16xi32>
        %shift_right_logical3A_573 = arith.constant 16 : i32
        %shift_right_logical3A_574 = vector.broadcast %shift_right_logical3A_573 : i32 to vector<16xi32>
        %shift_right_logical3A_575 = arith.shrui %get3A_572, %shift_right_logical3A_574 : vector<16xi32>
        %swap3A_576 = arith.constant 0 : i32
        %swap3A_577 = arith.index_cast %swap3A_576 : i32 to index
        %swap3A_578 = arith.constant 48 : index
        %swap3A_579 = tpu.vector_load %arg7[%swap3A_577, %swap3A_578] {strides = array<i32>} : memref<2x128xi32, #tpu.memory_space<vmem>>, vector<1x16xi32>,
        %swap3A_580 = vector.shape_cast %swap3A_579 : vector<1x16xi32> to vector<16xi32>
        %swap3A_581 = vector.shape_cast %shift_right_logical3A_575 : vector<16xi32> to vector<1x16xi32>
        tpu.vector_store %arg7[%swap3A_577, %swap3A_578], %swap3A_581 {strides = array<i32>} : memref<2x128xi32, #tpu.memory_space<vmem>>, vector<1x16xi32>,
        %and3A_582 = arith.constant 65535 : i32
        %and3A_583 = vector.broadcast %and3A_582 : i32 to vector<16xi32>
        %and3A_584 = arith.andi %get3A_572, %and3A_583 : vector<16xi32>
        %add3A_585 = vector.broadcast %mul3A_0 : i32 to vector<16xi32>
        %add3A_586 = arith.addi %and3A_584, %add3A_585 : vector<16xi32>
        %swap3A_587 = arith.constant 0 : i32
        %swap3A_588 = arith.index_cast %swap3A_587 : i32 to index
        %swap3A_589 = arith.constant 48 : index
        %swap3A_590 = tpu.vector_load %arg6[%swap3A_588, %swap3A_589] {strides = array<i32>} : memref<2x128xi32, #tpu.memory_space<vmem>>, vector<1x16xi32>,
        %swap3A_591 = vector.shape_cast %swap3A_590 : vector<1x16xi32> to vector<16xi32>
        %swap3A_592 = vector.shape_cast %add3A_586 : vector<16xi32> to vector<1x16xi32>
        tpu.vector_store %arg6[%swap3A_588, %swap3A_589], %swap3A_592 {strides = array<i32>} : memref<2x128xi32, #tpu.memory_space<vmem>>, vector<1x16xi32>,
        %get3A_593 = arith.index_cast %add3A_496 : i32 to index
        %get3A_594 = arith.constant 64 : index
        %get3A_595 = tpu.vector_load %arg5[%get3A_593, %get3A_594] {strides = array<i32>} : memref<80x128xi32, #tpu.memory_space<vmem>>, vector<1x16xi32>,
        %get3A_596 = vector.shape_cast %get3A_595 : vector<1x16xi32> to vector<16xi32>
        %shift_right_logical3A_597 = arith.constant 16 : i32
        %shift_right_logical3A_598 = vector.broadcast %shift_right_logical3A_597 : i32 to vector<16xi32>
        %shift_right_logical3A_599 = arith.shrui %get3A_596, %shift_right_logical3A_598 : vector<16xi32>
        %swap3A_600 = arith.constant 0 : i32
        %swap3A_601 = arith.index_cast %swap3A_600 : i32 to index
        %swap3A_602 = arith.constant 64 : index
        %swap3A_603 = tpu.vector_load %arg7[%swap3A_601, %swap3A_602] {strides = array<i32>} : memref<2x128xi32, #tpu.memory_space<vmem>>, vector<1x16xi32>,
        %swap3A_604 = vector.shape_cast %swap3A_603 : vector<1x16xi32> to vector<16xi32>
        %swap3A_605 = vector.shape_cast %shift_right_logical3A_599 : vector<16xi32> to vector<1x16xi32>
        tpu.vector_store %arg7[%swap3A_601, %swap3A_602], %swap3A_605 {strides = array<i32>} : memref<2x128xi32, #tpu.memory_space<vmem>>, vector<1x16xi32>,
        %and3A_606 = arith.constant 65535 : i32
        %and3A_607 = vector.broadcast %and3A_606 : i32 to vector<16xi32>
        %and3A_608 = arith.andi %get3A_596, %and3A_607 : vector<16xi32>
        %add3A_609 = vector.broadcast %mul3A_0 : i32 to vector<16xi32>
        %add3A_610 = arith.addi %and3A_608, %add3A_609 : vector<16xi32>
        %swap3A_611 = arith.constant 0 : i32
        %swap3A_612 = arith.index_cast %swap3A_611 : i32 to index
        %swap3A_613 = arith.constant 64 : index
        %swap3A_614 = tpu.vector_load %arg6[%swap3A_612, %swap3A_613] {strides = array<i32>} : memref<2x128xi32, #tpu.memory_space<vmem>>, vector<1x16xi32>,
        %swap3A_615 = vector.shape_cast %swap3A_614 : vector<1x16xi32> to vector<16xi32>
        %swap3A_616 = vector.shape_cast %add3A_610 : vector<16xi32> to vector<1x16xi32>
        tpu.vector_store %arg6[%swap3A_612, %swap3A_613], %swap3A_616 {strides = array<i32>} : memref<2x128xi32, #tpu.memory_space<vmem>>, vector<1x16xi32>,
        %get3A_617 = arith.index_cast %add3A_496 : i32 to index
        %get3A_618 = arith.constant 80 : index
        %get3A_619 = tpu.vector_load %arg5[%get3A_617, %get3A_618] {strides = array<i32>} : memref<80x128xi32, #tpu.memory_space<vmem>>, vector<1x16xi32>,
        %get3A_620 = vector.shape_cast %get3A_619 : vector<1x16xi32> to vector<16xi32>
        %shift_right_logical3A_621 = arith.constant 16 : i32
        %shift_right_logical3A_622 = vector.broadcast %shift_right_logical3A_621 : i32 to vector<16xi32>
        %shift_right_logical3A_623 = arith.shrui %get3A_620, %shift_right_logical3A_622 : vector<16xi32>
        %swap3A_624 = arith.constant 0 : i32
        %swap3A_625 = arith.index_cast %swap3A_624 : i32 to index
        %swap3A_626 = arith.constant 80 : index
        %swap3A_627 = tpu.vector_load %arg7[%swap3A_625, %swap3A_626] {strides = array<i32>} : memref<2x128xi32, #tpu.memory_space<vmem>>, vector<1x16xi32>,
        %swap3A_628 = vector.shape_cast %swap3A_627 : vector<1x16xi32> to vector<16xi32>
        %swap3A_629 = vector.shape_cast %shift_right_logical3A_623 : vector<16xi32> to vector<1x16xi32>
        tpu.vector_store %arg7[%swap3A_625, %swap3A_626], %swap3A_629 {strides = array<i32>} : memref<2x128xi32, #tpu.memory_space<vmem>>, vector<1x16xi32>,
        %and3A_630 = arith.constant 65535 : i32
        %and3A_631 = vector.broadcast %and3A_630 : i32 to vector<16xi32>
        %and3A_632 = arith.andi %get3A_620, %and3A_631 : vector<16xi32>
        %add3A_633 = vector.broadcast %mul3A_0 : i32 to vector<16xi32>
        %add3A_634 = arith.addi %and3A_632, %add3A_633 : vector<16xi32>
        %swap3A_635 = arith.constant 0 : i32
        %swap3A_636 = arith.index_cast %swap3A_635 : i32 to index
        %swap3A_637 = arith.constant 80 : index
        %swap3A_638 = tpu.vector_load %arg6[%swap3A_636, %swap3A_637] {strides = array<i32>} : memref<2x128xi32, #tpu.memory_space<vmem>>, vector<1x16xi32>,
        %swap3A_639 = vector.shape_cast %swap3A_638 : vector<1x16xi32> to vector<16xi32>
        %swap3A_640 = vector.shape_cast %add3A_634 : vector<16xi32> to vector<1x16xi32>
        tpu.vector_store %arg6[%swap3A_636, %swap3A_637], %swap3A_640 {strides = array<i32>} : memref<2x128xi32, #tpu.memory_space<vmem>>, vector<1x16xi32>,
        %get3A_641 = arith.index_cast %add3A_496 : i32 to index
        %get3A_642 = arith.constant 96 : index
        %get3A_643 = tpu.vector_load %arg5[%get3A_641, %get3A_642] {strides = array<i32>} : memref<80x128xi32, #tpu.memory_space<vmem>>, vector<1x16xi32>,
        %get3A_644 = vector.shape_cast %get3A_643 : vector<1x16xi32> to vector<16xi32>
        %shift_right_logical3A_645 = arith.constant 16 : i32
        %shift_right_logical3A_646 = vector.broadcast %shift_right_logical3A_645 : i32 to vector<16xi32>
        %shift_right_logical3A_647 = arith.shrui %get3A_644, %shift_right_logical3A_646 : vector<16xi32>
        %swap3A_648 = arith.constant 0 : i32
        %swap3A_649 = arith.index_cast %swap3A_648 : i32 to index
        %swap3A_650 = arith.constant 96 : index
        %swap3A_651 = tpu.vector_load %arg7[%swap3A_649, %swap3A_650] {strides = array<i32>} : memref<2x128xi32, #tpu.memory_space<vmem>>, vector<1x16xi32>,
        %swap3A_652 = vector.shape_cast %swap3A_651 : vector<1x16xi32> to vector<16xi32>
        %swap3A_653 = vector.shape_cast %shift_right_logical3A_647 : vector<16xi32> to vector<1x16xi32>
        tpu.vector_store %arg7[%swap3A_649, %swap3A_650], %swap3A_653 {strides = array<i32>} : memref<2x128xi32, #tpu.memory_space<vmem>>, vector<1x16xi32>,
        %and3A_654 = arith.constant 65535 : i32
        %and3A_655 = vector.broadcast %and3A_654 : i32 to vector<16xi32>
        %and3A_656 = arith.andi %get3A_644, %and3A_655 : vector<16xi32>
        %add3A_657 = vector.broadcast %mul3A_0 : i32 to vector<16xi32>
        %add3A_658 = arith.addi %and3A_656, %add3A_657 : vector<16xi32>
        %swap3A_659 = arith.constant 0 : i32
        %swap3A_660 = arith.index_cast %swap3A_659 : i32 to index
        %swap3A_661 = arith.constant 96 : index
        %swap3A_662 = tpu.vector_load %arg6[%swap3A_660, %swap3A_661] {strides = array<i32>} : memref<2x128xi32, #tpu.memory_space<vmem>>, vector<1x16xi32>,
        %swap3A_663 = vector.shape_cast %swap3A_662 : vector<1x16xi32> to vector<16xi32>
        %swap3A_664 = vector.shape_cast %add3A_658 : vector<16xi32> to vector<1x16xi32>
        tpu.vector_store %arg6[%swap3A_660, %swap3A_661], %swap3A_664 {strides = array<i32>} : memref<2x128xi32, #tpu.memory_space<vmem>>, vector<1x16xi32>,
        %get3A_665 = arith.index_cast %add3A_496 : i32 to index
        %get3A_666 = arith.constant 112 : index
        %get3A_667 = tpu.vector_load %arg5[%get3A_665, %get3A_666] {strides = array<i32>} : memref<80x128xi32, #tpu.memory_space<vmem>>, vector<1x16xi32>,
        %get3A_668 = vector.shape_cast %get3A_667 : vector<1x16xi32> to vector<16xi32>
        %shift_right_logical3A_669 = arith.constant 16 : i32
        %shift_right_logical3A_670 = vector.broadcast %shift_right_logical3A_669 : i32 to vector<16xi32>
        %shift_right_logical3A_671 = arith.shrui %get3A_668, %shift_right_logical3A_670 : vector<16xi32>
        %swap3A_672 = arith.constant 0 : i32
        %swap3A_673 = arith.index_cast %swap3A_672 : i32 to index
        %swap3A_674 = arith.constant 112 : index
        %swap3A_675 = tpu.vector_load %arg7[%swap3A_673, %swap3A_674] {strides = array<i32>} : memref<2x128xi32, #tpu.memory_space<vmem>>, vector<1x16xi32>,
        %swap3A_676 = vector.shape_cast %swap3A_675 : vector<1x16xi32> to vector<16xi32>
        %swap3A_677 = vector.shape_cast %shift_right_logical3A_671 : vector<16xi32> to vector<1x16xi32>
        tpu.vector_store %arg7[%swap3A_673, %swap3A_674], %swap3A_677 {strides = array<i32>} : memref<2x128xi32, #tpu.memory_space<vmem>>, vector<1x16xi32>,
        %and3A_678 = arith.constant 65535 : i32
        %and3A_679 = vector.broadcast %and3A_678 : i32 to vector<16xi32>
        %and3A_680 = arith.andi %get3A_668, %and3A_679 : vector<16xi32>
        %add3A_681 = vector.broadcast %mul3A_0 : i32 to vector<16xi32>
        %add3A_682 = arith.addi %and3A_680, %add3A_681 : vector<16xi32>
        %swap3A_683 = arith.constant 0 : i32
        %swap3A_684 = arith.index_cast %swap3A_683 : i32 to index
        %swap3A_685 = arith.constant 112 : index
        %swap3A_686 = tpu.vector_load %arg6[%swap3A_684, %swap3A_685] {strides = array<i32>} : memref<2x128xi32, #tpu.memory_space<vmem>>, vector<1x16xi32>,
        %swap3A_687 = vector.shape_cast %swap3A_686 : vector<1x16xi32> to vector<16xi32>
        %swap3A_688 = vector.shape_cast %add3A_682 : vector<16xi32> to vector<1x16xi32>
        tpu.vector_store %arg6[%swap3A_684, %swap3A_685], %swap3A_688 {strides = array<i32>} : memref<2x128xi32, #tpu.memory_space<vmem>>, vector<1x16xi32>,
        %dma_start3A_689 = arith.constant 0 : i32
        %dma_start3A_690 = arith.constant 0 : i32
        %dma_start3A_691 = arith.constant 0 : i32
        %dma_start3A_692 = arith.constant 0 : i32
        %dma_start3A_693 = tpu.memref_slice %arg8[%dma_start3A_690, %dma_start3A_691, %dma_start3A_692] : memref<2x128x128xf32, #tpu.memory_space<vmem>> -> memref<1x128x128xf32, #tpu.memory_space<vmem>>
        %dma_start3A_694 = tpu.memref_squeeze %dma_start3A_693 : memref<1x128x128xf32, #tpu.memory_space<vmem>> -> memref<128x128xf32, #tpu.memory_space<vmem>>
        %dma_start3A_695 = arith.constant 0 : i32
        %dma_start3A_696 = tpu.memref_slice %arg6[%dma_start3A_689, %dma_start3A_695] : memref<2x128xi32, #tpu.memory_space<vmem>> -> memref<1x128xi32, #tpu.memory_space<vmem>>
        %dma_start3A_697 = tpu.memref_squeeze %dma_start3A_696 : memref<1x128xi32, #tpu.memory_space<vmem>> -> memref<128xi32, #tpu.memory_space<vmem>>
        %dma_start3A_698 = arith.constant 0 : i32
        %dma_start3A_699 = arith.constant 0 : i32
        %dma_start3A_700 = tpu.memref_slice %arg2[%dma_start3A_698, %dma_start3A_699] : memref<20000x128xf32, #tpu.memory_space<hbm>> -> memref<20000x128xf32, #tpu.memory_space<hbm>>
        tpu.enqueue_indirect_dma source(%dma_start3A_700 : memref<20000x128xf32, #tpu.memory_space<hbm>>) target(%dma_start3A_694 : memref<128x128xf32, #tpu.memory_space<vmem>>) offsets(%dma_start3A_697 : memref<128xi32, #tpu.memory_space<vmem>>) semaphore(%arg10 : memref<!tpu.dma_semaphore, #tpu.memory_space<semaphore_mem>>)
      } else {
      }
      %mul3A_469 = arith.constant 2 : i32
      %mul3A_470 = arith.muli %mul3A_469, %scan3A_444 : i32
      %add3A_471 = arith.constant 1 : i32
      %add3A_472 = arith.addi %mul3A_470, %add3A_471 : i32
      %dma_wait3A_473 = arith.constant 1 : i32
      %dma_wait3A_474 = arith.constant 1 : i32
      %dma_wait3A_475 = arith.constant 0 : i32
      %dma_wait3A_476 = arith.constant 0 : i32
      %dma_wait3A_477 = tpu.memref_slice %arg8[%dma_wait3A_474, %dma_wait3A_475, %dma_wait3A_476] : memref<2x128x128xf32, #tpu.memory_space<vmem>> -> memref<1x128x128xf32, #tpu.memory_space<vmem>>
      %dma_wait3A_478 = tpu.memref_squeeze %dma_wait3A_477 : memref<1x128x128xf32, #tpu.memory_space<vmem>> -> memref<128x128xf32, #tpu.memory_space<vmem>>
      %dma_wait3A_479 = arith.constant 0 : i32
      %dma_wait3A_480 = tpu.memref_slice %arg6[%dma_wait3A_473, %dma_wait3A_479] : memref<2x128xi32, #tpu.memory_space<vmem>> -> memref<1x128xi32, #tpu.memory_space<vmem>>
      %dma_wait3A_481 = tpu.memref_squeeze %dma_wait3A_480 : memref<1x128xi32, #tpu.memory_space<vmem>> -> memref<128xi32, #tpu.memory_space<vmem>>
      %dma_wait3A_482 = arith.constant 0 : i32
      %dma_wait3A_483 = arith.constant 0 : i32
      %dma_wait3A_484 = tpu.memref_slice %arg2[%dma_wait3A_482, %dma_wait3A_483] : memref<20000x128xf32, #tpu.memory_space<hbm>> -> memref<20000x128xf32, #tpu.memory_space<hbm>>
      tpu.wait_indirect_dma semaphore(%arg11 : memref<!tpu.dma_semaphore, #tpu.memory_space<semaphore_mem>>) src(%dma_wait3A_484 : memref<20000x128xf32, #tpu.memory_space<hbm>>) dst(%dma_wait3A_478 : memref<128x128xf32, #tpu.memory_space<vmem>>)
      %run_scoped3A_485 = arith.constant 1 : i32
      %run_scoped3A_486 = arith.constant 1 : i32
      "tpu.region"() ({
        %run_scoped3A_495 = tpu.sem_alloc : memref<!tpu.dma_semaphore, #tpu.memory_space<semaphore_mem>>
        %dma_start3A_496 = arith.constant 0 : i32
        %dma_start3A_497 = arith.constant 0 : i32
        %dma_start3A_498 = tpu.memref_slice %arg8[%run_scoped3A_485, %dma_start3A_496, %dma_start3A_497] : memref<2x128x128xf32, #tpu.memory_space<vmem>> -> memref<1x128x128xf32, #tpu.memory_space<vmem>>
        %dma_start3A_499 = tpu.memref_squeeze %dma_start3A_498 : memref<1x128x128xf32, #tpu.memory_space<vmem>> -> memref<128x128xf32, #tpu.memory_space<vmem>>
        %dma_start3A_500 = arith.constant 0 : i32
        %dma_start3A_501 = tpu.memref_slice %arg7[%run_scoped3A_486, %dma_start3A_500] : memref<2x128xi32, #tpu.memory_space<vmem>> -> memref<1x128xi32, #tpu.memory_space<vmem>>
        %dma_start3A_502 = tpu.memref_squeeze %dma_start3A_501 : memref<1x128xi32, #tpu.memory_space<vmem>> -> memref<128xi32, #tpu.memory_space<vmem>>
        %dma_start3A_503 = arith.constant 0 : i32
        %dma_start3A_504 = arith.constant 0 : i32
        %dma_start3A_505 = tpu.memref_slice %arg9[%dma_start3A_503, %dma_start3A_504] : memref<10240x128xf32, #tpu.memory_space<vmem_shared>> -> memref<10240x128xf32, #tpu.memory_space<vmem_shared>>
        tpu.enqueue_indirect_dma source(%dma_start3A_499 : memref<128x128xf32, #tpu.memory_space<vmem>>) target(%dma_start3A_505 : memref<10240x128xf32, #tpu.memory_space<vmem_shared>>) offsets(%dma_start3A_502 : memref<128xi32, #tpu.memory_space<vmem>>) semaphore(%run_scoped3A_495 : memref<!tpu.dma_semaphore, #tpu.memory_space<semaphore_mem>>) {add = true}
        %dma_wait3A_506 = arith.constant 0 : i32
        %dma_wait3A_507 = arith.constant 0 : i32
        %dma_wait3A_508 = tpu.memref_slice %arg8[%run_scoped3A_485, %dma_wait3A_506, %dma_wait3A_507] : memref<2x128x128xf32, #tpu.memory_space<vmem>> -> memref<1x128x128xf32, #tpu.memory_space<vmem>>
        %dma_wait3A_509 = tpu.memref_squeeze %dma_wait3A_508 : memref<1x128x128xf32, #tpu.memory_space<vmem>> -> memref<128x128xf32, #tpu.memory_space<vmem>>
        %dma_wait3A_510 = arith.constant 0 : i32
        %dma_wait3A_511 = tpu.memref_slice %arg7[%run_scoped3A_486, %dma_wait3A_510] : memref<2x128xi32, #tpu.memory_space<vmem>> -> memref<1x128xi32, #tpu.memory_space<vmem>>
        %dma_wait3A_512 = tpu.memref_squeeze %dma_wait3A_511 : memref<1x128xi32, #tpu.memory_space<vmem>> -> memref<128xi32, #tpu.memory_space<vmem>>
        %dma_wait3A_513 = arith.constant 0 : i32
        %dma_wait3A_514 = arith.constant 0 : i32
        %dma_wait3A_515 = tpu.memref_slice %arg9[%dma_wait3A_513, %dma_wait3A_514] : memref<10240x128xf32, #tpu.memory_space<vmem_shared>> -> memref<10240x128xf32, #tpu.memory_space<vmem_shared>>
        tpu.wait_indirect_dma semaphore(%run_scoped3A_495 : memref<!tpu.dma_semaphore, #tpu.memory_space<semaphore_mem>>) src(%dma_wait3A_509 : memref<128x128xf32, #tpu.memory_space<vmem>>) dst(%dma_wait3A_515 : memref<10240x128xf32, #tpu.memory_space<vmem_shared>>)
        tpu.yield
      }) : () -> ()
      %add3A_487 = arith.constant 2 : i32
      %add3A_488 = arith.addi %add3A_472, %add3A_487 : i32
      %lt3A_489 = arith.constant 80 : i32
      %lt3A_490 = arith.cmpi slt, %add3A_488, %lt3A_489 : i32
      %convert_element_type3A_491 = arith.extui %lt3A_490 : i1 to i32
      %cond3A_492 = arith.constant 0 : i32
      %cond3A_493 = arith.cmpi ne, %convert_element_type3A_491, %cond3A_492 : i32
      scf.if %cond3A_493 {
        %add3A_495 = arith.constant 2 : i32
        %add3A_496 = arith.addi %add3A_472, %add3A_495 : i32
        %get3A_497 = arith.index_cast %add3A_496 : i32 to index
        %get3A_498 = arith.constant 0 : index
        %get3A_499 = tpu.vector_load %arg5[%get3A_497, %get3A_498] {strides = array<i32>} : memref<80x128xi32, #tpu.memory_space<vmem>>, vector<1x16xi32>,
        %get3A_500 = vector.shape_cast %get3A_499 : vector<1x16xi32> to vector<16xi32>
        %shift_right_logical3A_501 = arith.constant 16 : i32
        %shift_right_logical3A_502 = vector.broadcast %shift_right_logical3A_501 : i32 to vector<16xi32>
        %shift_right_logical3A_503 = arith.shrui %get3A_500, %shift_right_logical3A_502 : vector<16xi32>
        %swap3A_504 = arith.constant 1 : i32
        %swap3A_505 = arith.index_cast %swap3A_504 : i32 to index
        %swap3A_506 = arith.constant 0 : index
        %swap3A_507 = tpu.vector_load %arg7[%swap3A_505, %swap3A_506] {strides = array<i32>} : memref<2x128xi32, #tpu.memory_space<vmem>>, vector<1x16xi32>,
        %swap3A_508 = vector.shape_cast %swap3A_507 : vector<1x16xi32> to vector<16xi32>
        %swap3A_509 = vector.shape_cast %shift_right_logical3A_503 : vector<16xi32> to vector<1x16xi32>
        tpu.vector_store %arg7[%swap3A_505, %swap3A_506], %swap3A_509 {strides = array<i32>} : memref<2x128xi32, #tpu.memory_space<vmem>>, vector<1x16xi32>,
        %and3A_510 = arith.constant 65535 : i32
        %and3A_511 = vector.broadcast %and3A_510 : i32 to vector<16xi32>
        %and3A_512 = arith.andi %get3A_500, %and3A_511 : vector<16xi32>
        %add3A_513 = vector.broadcast %mul3A_0 : i32 to vector<16xi32>
        %add3A_514 = arith.addi %and3A_512, %add3A_513 : vector<16xi32>
        %swap3A_515 = arith.constant 1 : i32
        %swap3A_516 = arith.index_cast %swap3A_515 : i32 to index
        %swap3A_517 = arith.constant 0 : index
        %swap3A_518 = tpu.vector_load %arg6[%swap3A_516, %swap3A_517] {strides = array<i32>} : memref<2x128xi32, #tpu.memory_space<vmem>>, vector<1x16xi32>,
        %swap3A_519 = vector.shape_cast %swap3A_518 : vector<1x16xi32> to vector<16xi32>
        %swap3A_520 = vector.shape_cast %add3A_514 : vector<16xi32> to vector<1x16xi32>
        tpu.vector_store %arg6[%swap3A_516, %swap3A_517], %swap3A_520 {strides = array<i32>} : memref<2x128xi32, #tpu.memory_space<vmem>>, vector<1x16xi32>,
        %get3A_521 = arith.index_cast %add3A_496 : i32 to index
        %get3A_522 = arith.constant 16 : index
        %get3A_523 = tpu.vector_load %arg5[%get3A_521, %get3A_522] {strides = array<i32>} : memref<80x128xi32, #tpu.memory_space<vmem>>, vector<1x16xi32>,
        %get3A_524 = vector.shape_cast %get3A_523 : vector<1x16xi32> to vector<16xi32>
        %shift_right_logical3A_525 = arith.constant 16 : i32
        %shift_right_logical3A_526 = vector.broadcast %shift_right_logical3A_525 : i32 to vector<16xi32>
        %shift_right_logical3A_527 = arith.shrui %get3A_524, %shift_right_logical3A_526 : vector<16xi32>
        %swap3A_528 = arith.constant 1 : i32
        %swap3A_529 = arith.index_cast %swap3A_528 : i32 to index
        %swap3A_530 = arith.constant 16 : index
        %swap3A_531 = tpu.vector_load %arg7[%swap3A_529, %swap3A_530] {strides = array<i32>} : memref<2x128xi32, #tpu.memory_space<vmem>>, vector<1x16xi32>,
        %swap3A_532 = vector.shape_cast %swap3A_531 : vector<1x16xi32> to vector<16xi32>
        %swap3A_533 = vector.shape_cast %shift_right_logical3A_527 : vector<16xi32> to vector<1x16xi32>
        tpu.vector_store %arg7[%swap3A_529, %swap3A_530], %swap3A_533 {strides = array<i32>} : memref<2x128xi32, #tpu.memory_space<vmem>>, vector<1x16xi32>,
        %and3A_534 = arith.constant 65535 : i32
        %and3A_535 = vector.broadcast %and3A_534 : i32 to vector<16xi32>
        %and3A_536 = arith.andi %get3A_524, %and3A_535 : vector<16xi32>
        %add3A_537 = vector.broadcast %mul3A_0 : i32 to vector<16xi32>
        %add3A_538 = arith.addi %and3A_536, %add3A_537 : vector<16xi32>
        %swap3A_539 = arith.constant 1 : i32
        %swap3A_540 = arith.index_cast %swap3A_539 : i32 to index
        %swap3A_541 = arith.constant 16 : index
        %swap3A_542 = tpu.vector_load %arg6[%swap3A_540, %swap3A_541] {strides = array<i32>} : memref<2x128xi32, #tpu.memory_space<vmem>>, vector<1x16xi32>,
        %swap3A_543 = vector.shape_cast %swap3A_542 : vector<1x16xi32> to vector<16xi32>
        %swap3A_544 = vector.shape_cast %add3A_538 : vector<16xi32> to vector<1x16xi32>
        tpu.vector_store %arg6[%swap3A_540, %swap3A_541], %swap3A_544 {strides = array<i32>} : memref<2x128xi32, #tpu.memory_space<vmem>>, vector<1x16xi32>,
        %get3A_545 = arith.index_cast %add3A_496 : i32 to index
        %get3A_546 = arith.constant 32 : index
        %get3A_547 = tpu.vector_load %arg5[%get3A_545, %get3A_546] {strides = array<i32>} : memref<80x128xi32, #tpu.memory_space<vmem>>, vector<1x16xi32>,
        %get3A_548 = vector.shape_cast %get3A_547 : vector<1x16xi32> to vector<16xi32>
        %shift_right_logical3A_549 = arith.constant 16 : i32
        %shift_right_logical3A_550 = vector.broadcast %shift_right_logical3A_549 : i32 to vector<16xi32>
        %shift_right_logical3A_551 = arith.shrui %get3A_548, %shift_right_logical3A_550 : vector<16xi32>
        %swap3A_552 = arith.constant 1 : i32
        %swap3A_553 = arith.index_cast %swap3A_552 : i32 to index
        %swap3A_554 = arith.constant 32 : index
        %swap3A_555 = tpu.vector_load %arg7[%swap3A_553, %swap3A_554] {strides = array<i32>} : memref<2x128xi32, #tpu.memory_space<vmem>>, vector<1x16xi32>,
        %swap3A_556 = vector.shape_cast %swap3A_555 : vector<1x16xi32> to vector<16xi32>
        %swap3A_557 = vector.shape_cast %shift_right_logical3A_551 : vector<16xi32> to vector<1x16xi32>
        tpu.vector_store %arg7[%swap3A_553, %swap3A_554], %swap3A_557 {strides = array<i32>} : memref<2x128xi32, #tpu.memory_space<vmem>>, vector<1x16xi32>,
        %and3A_558 = arith.constant 65535 : i32
        %and3A_559 = vector.broadcast %and3A_558 : i32 to vector<16xi32>
        %and3A_560 = arith.andi %get3A_548, %and3A_559 : vector<16xi32>
        %add3A_561 = vector.broadcast %mul3A_0 : i32 to vector<16xi32>
        %add3A_562 = arith.addi %and3A_560, %add3A_561 : vector<16xi32>
        %swap3A_563 = arith.constant 1 : i32
        %swap3A_564 = arith.index_cast %swap3A_563 : i32 to index
        %swap3A_565 = arith.constant 32 : index
        %swap3A_566 = tpu.vector_load %arg6[%swap3A_564, %swap3A_565] {strides = array<i32>} : memref<2x128xi32, #tpu.memory_space<vmem>>, vector<1x16xi32>,
        %swap3A_567 = vector.shape_cast %swap3A_566 : vector<1x16xi32> to vector<16xi32>
        %swap3A_568 = vector.shape_cast %add3A_562 : vector<16xi32> to vector<1x16xi32>
        tpu.vector_store %arg6[%swap3A_564, %swap3A_565], %swap3A_568 {strides = array<i32>} : memref<2x128xi32, #tpu.memory_space<vmem>>, vector<1x16xi32>,
        %get3A_569 = arith.index_cast %add3A_496 : i32 to index
        %get3A_570 = arith.constant 48 : index
        %get3A_571 = tpu.vector_load %arg5[%get3A_569, %get3A_570] {strides = array<i32>} : memref<80x128xi32, #tpu.memory_space<vmem>>, vector<1x16xi32>,
        %get3A_572 = vector.shape_cast %get3A_571 : vector<1x16xi32> to vector<16xi32>
        %shift_right_logical3A_573 = arith.constant 16 : i32
        %shift_right_logical3A_574 = vector.broadcast %shift_right_logical3A_573 : i32 to vector<16xi32>
        %shift_right_logical3A_575 = arith.shrui %get3A_572, %shift_right_logical3A_574 : vector<16xi32>
        %swap3A_576 = arith.constant 1 : i32
        %swap3A_577 = arith.index_cast %swap3A_576 : i32 to index
        %swap3A_578 = arith.constant 48 : index
        %swap3A_579 = tpu.vector_load %arg7[%swap3A_577, %swap3A_578] {strides = array<i32>} : memref<2x128xi32, #tpu.memory_space<vmem>>, vector<1x16xi32>,
        %swap3A_580 = vector.shape_cast %swap3A_579 : vector<1x16xi32> to vector<16xi32>
        %swap3A_581 = vector.shape_cast %shift_right_logical3A_575 : vector<16xi32> to vector<1x16xi32>
        tpu.vector_store %arg7[%swap3A_577, %swap3A_578], %swap3A_581 {strides = array<i32>} : memref<2x128xi32, #tpu.memory_space<vmem>>, vector<1x16xi32>,
        %and3A_582 = arith.constant 65535 : i32
        %and3A_583 = vector.broadcast %and3A_582 : i32 to vector<16xi32>
        %and3A_584 = arith.andi %get3A_572, %and3A_583 : vector<16xi32>
        %add3A_585 = vector.broadcast %mul3A_0 : i32 to vector<16xi32>
        %add3A_586 = arith.addi %and3A_584, %add3A_585 : vector<16xi32>
        %swap3A_587 = arith.constant 1 : i32
        %swap3A_588 = arith.index_cast %swap3A_587 : i32 to index
        %swap3A_589 = arith.constant 48 : index
        %swap3A_590 = tpu.vector_load %arg6[%swap3A_588, %swap3A_589] {strides = array<i32>} : memref<2x128xi32, #tpu.memory_space<vmem>>, vector<1x16xi32>,
        %swap3A_591 = vector.shape_cast %swap3A_590 : vector<1x16xi32> to vector<16xi32>
        %swap3A_592 = vector.shape_cast %add3A_586 : vector<16xi32> to vector<1x16xi32>
        tpu.vector_store %arg6[%swap3A_588, %swap3A_589], %swap3A_592 {strides = array<i32>} : memref<2x128xi32, #tpu.memory_space<vmem>>, vector<1x16xi32>,
        %get3A_593 = arith.index_cast %add3A_496 : i32 to index
        %get3A_594 = arith.constant 64 : index
        %get3A_595 = tpu.vector_load %arg5[%get3A_593, %get3A_594] {strides = array<i32>} : memref<80x128xi32, #tpu.memory_space<vmem>>, vector<1x16xi32>,
        %get3A_596 = vector.shape_cast %get3A_595 : vector<1x16xi32> to vector<16xi32>
        %shift_right_logical3A_597 = arith.constant 16 : i32
        %shift_right_logical3A_598 = vector.broadcast %shift_right_logical3A_597 : i32 to vector<16xi32>
        %shift_right_logical3A_599 = arith.shrui %get3A_596, %shift_right_logical3A_598 : vector<16xi32>
        %swap3A_600 = arith.constant 1 : i32
        %swap3A_601 = arith.index_cast %swap3A_600 : i32 to index
        %swap3A_602 = arith.constant 64 : index
        %swap3A_603 = tpu.vector_load %arg7[%swap3A_601, %swap3A_602] {strides = array<i32>} : memref<2x128xi32, #tpu.memory_space<vmem>>, vector<1x16xi32>,
        %swap3A_604 = vector.shape_cast %swap3A_603 : vector<1x16xi32> to vector<16xi32>
        %swap3A_605 = vector.shape_cast %shift_right_logical3A_599 : vector<16xi32> to vector<1x16xi32>
        tpu.vector_store %arg7[%swap3A_601, %swap3A_602], %swap3A_605 {strides = array<i32>} : memref<2x128xi32, #tpu.memory_space<vmem>>, vector<1x16xi32>,
        %and3A_606 = arith.constant 65535 : i32
        %and3A_607 = vector.broadcast %and3A_606 : i32 to vector<16xi32>
        %and3A_608 = arith.andi %get3A_596, %and3A_607 : vector<16xi32>
        %add3A_609 = vector.broadcast %mul3A_0 : i32 to vector<16xi32>
        %add3A_610 = arith.addi %and3A_608, %add3A_609 : vector<16xi32>
        %swap3A_611 = arith.constant 1 : i32
        %swap3A_612 = arith.index_cast %swap3A_611 : i32 to index
        %swap3A_613 = arith.constant 64 : index
        %swap3A_614 = tpu.vector_load %arg6[%swap3A_612, %swap3A_613] {strides = array<i32>} : memref<2x128xi32, #tpu.memory_space<vmem>>, vector<1x16xi32>,
        %swap3A_615 = vector.shape_cast %swap3A_614 : vector<1x16xi32> to vector<16xi32>
        %swap3A_616 = vector.shape_cast %add3A_610 : vector<16xi32> to vector<1x16xi32>
        tpu.vector_store %arg6[%swap3A_612, %swap3A_613], %swap3A_616 {strides = array<i32>} : memref<2x128xi32, #tpu.memory_space<vmem>>, vector<1x16xi32>,
        %get3A_617 = arith.index_cast %add3A_496 : i32 to index
        %get3A_618 = arith.constant 80 : index
        %get3A_619 = tpu.vector_load %arg5[%get3A_617, %get3A_618] {strides = array<i32>} : memref<80x128xi32, #tpu.memory_space<vmem>>, vector<1x16xi32>,
        %get3A_620 = vector.shape_cast %get3A_619 : vector<1x16xi32> to vector<16xi32>
        %shift_right_logical3A_621 = arith.constant 16 : i32
        %shift_right_logical3A_622 = vector.broadcast %shift_right_logical3A_621 : i32 to vector<16xi32>
        %shift_right_logical3A_623 = arith.shrui %get3A_620, %shift_right_logical3A_622 : vector<16xi32>
        %swap3A_624 = arith.constant 1 : i32
        %swap3A_625 = arith.index_cast %swap3A_624 : i32 to index
        %swap3A_626 = arith.constant 80 : index
        %swap3A_627 = tpu.vector_load %arg7[%swap3A_625, %swap3A_626] {strides = array<i32>} : memref<2x128xi32, #tpu.memory_space<vmem>>, vector<1x16xi32>,
        %swap3A_628 = vector.shape_cast %swap3A_627 : vector<1x16xi32> to vector<16xi32>
        %swap3A_629 = vector.shape_cast %shift_right_logical3A_623 : vector<16xi32> to vector<1x16xi32>
        tpu.vector_store %arg7[%swap3A_625, %swap3A_626], %swap3A_629 {strides = array<i32>} : memref<2x128xi32, #tpu.memory_space<vmem>>, vector<1x16xi32>,
        %and3A_630 = arith.constant 65535 : i32
        %and3A_631 = vector.broadcast %and3A_630 : i32 to vector<16xi32>
        %and3A_632 = arith.andi %get3A_620, %and3A_631 : vector<16xi32>
        %add3A_633 = vector.broadcast %mul3A_0 : i32 to vector<16xi32>
        %add3A_634 = arith.addi %and3A_632, %add3A_633 : vector<16xi32>
        %swap3A_635 = arith.constant 1 : i32
        %swap3A_636 = arith.index_cast %swap3A_635 : i32 to index
        %swap3A_637 = arith.constant 80 : index
        %swap3A_638 = tpu.vector_load %arg6[%swap3A_636, %swap3A_637] {strides = array<i32>} : memref<2x128xi32, #tpu.memory_space<vmem>>, vector<1x16xi32>,
        %swap3A_639 = vector.shape_cast %swap3A_638 : vector<1x16xi32> to vector<16xi32>
        %swap3A_640 = vector.shape_cast %add3A_634 : vector<16xi32> to vector<1x16xi32>
        tpu.vector_store %arg6[%swap3A_636, %swap3A_637], %swap3A_640 {strides = array<i32>} : memref<2x128xi32, #tpu.memory_space<vmem>>, vector<1x16xi32>,
        %get3A_641 = arith.index_cast %add3A_496 : i32 to index
        %get3A_642 = arith.constant 96 : index
        %get3A_643 = tpu.vector_load %arg5[%get3A_641, %get3A_642] {strides = array<i32>} : memref<80x128xi32, #tpu.memory_space<vmem>>, vector<1x16xi32>,
        %get3A_644 = vector.shape_cast %get3A_643 : vector<1x16xi32> to vector<16xi32>
        %shift_right_logical3A_645 = arith.constant 16 : i32
        %shift_right_logical3A_646 = vector.broadcast %shift_right_logical3A_645 : i32 to vector<16xi32>
        %shift_right_logical3A_647 = arith.shrui %get3A_644, %shift_right_logical3A_646 : vector<16xi32>
        %swap3A_648 = arith.constant 1 : i32
        %swap3A_649 = arith.index_cast %swap3A_648 : i32 to index
        %swap3A_650 = arith.constant 96 : index
        %swap3A_651 = tpu.vector_load %arg7[%swap3A_649, %swap3A_650] {strides = array<i32>} : memref<2x128xi32, #tpu.memory_space<vmem>>, vector<1x16xi32>,
        %swap3A_652 = vector.shape_cast %swap3A_651 : vector<1x16xi32> to vector<16xi32>
        %swap3A_653 = vector.shape_cast %shift_right_logical3A_647 : vector<16xi32> to vector<1x16xi32>
        tpu.vector_store %arg7[%swap3A_649, %swap3A_650], %swap3A_653 {strides = array<i32>} : memref<2x128xi32, #tpu.memory_space<vmem>>, vector<1x16xi32>,
        %and3A_654 = arith.constant 65535 : i32
        %and3A_655 = vector.broadcast %and3A_654 : i32 to vector<16xi32>
        %and3A_656 = arith.andi %get3A_644, %and3A_655 : vector<16xi32>
        %add3A_657 = vector.broadcast %mul3A_0 : i32 to vector<16xi32>
        %add3A_658 = arith.addi %and3A_656, %add3A_657 : vector<16xi32>
        %swap3A_659 = arith.constant 1 : i32
        %swap3A_660 = arith.index_cast %swap3A_659 : i32 to index
        %swap3A_661 = arith.constant 96 : index
        %swap3A_662 = tpu.vector_load %arg6[%swap3A_660, %swap3A_661] {strides = array<i32>} : memref<2x128xi32, #tpu.memory_space<vmem>>, vector<1x16xi32>,
        %swap3A_663 = vector.shape_cast %swap3A_662 : vector<1x16xi32> to vector<16xi32>
        %swap3A_664 = vector.shape_cast %add3A_658 : vector<16xi32> to vector<1x16xi32>
        tpu.vector_store %arg6[%swap3A_660, %swap3A_661], %swap3A_664 {strides = array<i32>} : memref<2x128xi32, #tpu.memory_space<vmem>>, vector<1x16xi32>,
        %get3A_665 = arith.index_cast %add3A_496 : i32 to index
        %get3A_666 = arith.constant 112 : index
        %get3A_667 = tpu.vector_load %arg5[%get3A_665, %get3A_666] {strides = array<i32>} : memref<80x128xi32, #tpu.memory_space<vmem>>, vector<1x16xi32>,
        %get3A_668 = vector.shape_cast %get3A_667 : vector<1x16xi32> to vector<16xi32>
        %shift_right_logical3A_669 = arith.constant 16 : i32
        %shift_right_logical3A_670 = vector.broadcast %shift_right_logical3A_669 : i32 to vector<16xi32>
        %shift_right_logical3A_671 = arith.shrui %get3A_668, %shift_right_logical3A_670 : vector<16xi32>
        %swap3A_672 = arith.constant 1 : i32
        %swap3A_673 = arith.index_cast %swap3A_672 : i32 to index
        %swap3A_674 = arith.constant 112 : index
        %swap3A_675 = tpu.vector_load %arg7[%swap3A_673, %swap3A_674] {strides = array<i32>} : memref<2x128xi32, #tpu.memory_space<vmem>>, vector<1x16xi32>,
        %swap3A_676 = vector.shape_cast %swap3A_675 : vector<1x16xi32> to vector<16xi32>
        %swap3A_677 = vector.shape_cast %shift_right_logical3A_671 : vector<16xi32> to vector<1x16xi32>
        tpu.vector_store %arg7[%swap3A_673, %swap3A_674], %swap3A_677 {strides = array<i32>} : memref<2x128xi32, #tpu.memory_space<vmem>>, vector<1x16xi32>,
        %and3A_678 = arith.constant 65535 : i32
        %and3A_679 = vector.broadcast %and3A_678 : i32 to vector<16xi32>
        %and3A_680 = arith.andi %get3A_668, %and3A_679 : vector<16xi32>
        %add3A_681 = vector.broadcast %mul3A_0 : i32 to vector<16xi32>
        %add3A_682 = arith.addi %and3A_680, %add3A_681 : vector<16xi32>
        %swap3A_683 = arith.constant 1 : i32
        %swap3A_684 = arith.index_cast %swap3A_683 : i32 to index
        %swap3A_685 = arith.constant 112 : index
        %swap3A_686 = tpu.vector_load %arg6[%swap3A_684, %swap3A_685] {strides = array<i32>} : memref<2x128xi32, #tpu.memory_space<vmem>>, vector<1x16xi32>,
        %swap3A_687 = vector.shape_cast %swap3A_686 : vector<1x16xi32> to vector<16xi32>
        %swap3A_688 = vector.shape_cast %add3A_682 : vector<16xi32> to vector<1x16xi32>
        tpu.vector_store %arg6[%swap3A_684, %swap3A_685], %swap3A_688 {strides = array<i32>} : memref<2x128xi32, #tpu.memory_space<vmem>>, vector<1x16xi32>,
        %dma_start3A_689 = arith.constant 1 : i32
        %dma_start3A_690 = arith.constant 1 : i32
        %dma_start3A_691 = arith.constant 0 : i32
        %dma_start3A_692 = arith.constant 0 : i32
        %dma_start3A_693 = tpu.memref_slice %arg8[%dma_start3A_690, %dma_start3A_691, %dma_start3A_692] : memref<2x128x128xf32, #tpu.memory_space<vmem>> -> memref<1x128x128xf32, #tpu.memory_space<vmem>>
        %dma_start3A_694 = tpu.memref_squeeze %dma_start3A_693 : memref<1x128x128xf32, #tpu.memory_space<vmem>> -> memref<128x128xf32, #tpu.memory_space<vmem>>
        %dma_start3A_695 = arith.constant 0 : i32
        %dma_start3A_696 = tpu.memref_slice %arg6[%dma_start3A_689, %dma_start3A_695] : memref<2x128xi32, #tpu.memory_space<vmem>> -> memref<1x128xi32, #tpu.memory_space<vmem>>
        %dma_start3A_697 = tpu.memref_squeeze %dma_start3A_696 : memref<1x128xi32, #tpu.memory_space<vmem>> -> memref<128xi32, #tpu.memory_space<vmem>>
        %dma_start3A_698 = arith.constant 0 : i32
        %dma_start3A_699 = arith.constant 0 : i32
        %dma_start3A_700 = tpu.memref_slice %arg2[%dma_start3A_698, %dma_start3A_699] : memref<20000x128xf32, #tpu.memory_space<hbm>> -> memref<20000x128xf32, #tpu.memory_space<hbm>>
        tpu.enqueue_indirect_dma source(%dma_start3A_700 : memref<20000x128xf32, #tpu.memory_space<hbm>>) target(%dma_start3A_694 : memref<128x128xf32, #tpu.memory_space<vmem>>) offsets(%dma_start3A_697 : memref<128xi32, #tpu.memory_space<vmem>>) semaphore(%arg11 : memref<!tpu.dma_semaphore, #tpu.memory_space<semaphore_mem>>)
      } else {
      }
      %scan3A_494 = arith.constant 0 : i32
      scf.yield %scan3A_494 : i32
    }
    %scan3A_432 = arith.constant 40 : i32
    %barrier3A_433 = arith.constant 0 : index
    tpu.barrier barrier_id(%barrier3A_433)
    %lt3A_434 = arith.constant 15 : i32
    %lt3A_435 = arith.cmpi slt, %arg1, %lt3A_434 : i32
    %convert_element_type3A_436 = arith.extui %lt3A_435 : i1 to i32
    %cond3A_437 = arith.constant 0 : i32
    %cond3A_438 = arith.cmpi ne, %convert_element_type3A_436, %cond3A_437 : i32
    scf.if %cond3A_438 {
      %mul3A_444 = arith.constant 640 : i32
      %mul3A_445 = arith.muli %arg1, %mul3A_444 : i32
      %mul3A_446 = arith.constant 640 : i32
      %mul3A_447 = arith.muli %arg1, %mul3A_446 : i32
      "tpu.region"() ({
        %run_scoped3A = tpu.sem_alloc : memref<!tpu.dma_semaphore, #tpu.memory_space<semaphore_mem>>
        %dma_start3A_448 = arith.constant 0 : i32
        %dma_start3A_449 = tpu.memref_slice %arg4[%arg0, %mul3A_447, %dma_start3A_448] : memref<2x10000x128xf32, #tpu.memory_space<hbm>> -> memref<1x640x128xf32, #tpu.memory_space<hbm>>
        %dma_start3A_450 = tpu.memref_squeeze %dma_start3A_449 : memref<1x640x128xf32, #tpu.memory_space<hbm>> -> memref<640x128xf32, #tpu.memory_space<hbm>>
        %dma_start3A_451 = arith.constant 0 : i32
        %dma_start3A_452 = tpu.memref_slice %arg9[%mul3A_445, %dma_start3A_451] : memref<10240x128xf32, #tpu.memory_space<vmem_shared>> -> memref<640x128xf32, #tpu.memory_space<vmem_shared>>
        tpu.enqueue_dma source(%dma_start3A_452 : memref<640x128xf32, #tpu.memory_space<vmem_shared>>) target(%dma_start3A_450 : memref<640x128xf32, #tpu.memory_space<hbm>>) target_semaphore(%run_scoped3A : memref<!tpu.dma_semaphore, #tpu.memory_space<semaphore_mem>>)
        %dma_wait3A = arith.constant 0 : i32
        %dma_wait3A_453 = tpu.memref_slice %arg4[%arg0, %mul3A_447, %dma_wait3A] : memref<2x10000x128xf32, #tpu.memory_space<hbm>> -> memref<1x640x128xf32, #tpu.memory_space<hbm>>
        %dma_wait3A_454 = tpu.memref_squeeze %dma_wait3A_453 : memref<1x640x128xf32, #tpu.memory_space<hbm>> -> memref<640x128xf32, #tpu.memory_space<hbm>>
        %dma_wait3A_455 = arith.constant 0 : i32
        %dma_wait3A_456 = tpu.memref_slice %arg9[%mul3A_445, %dma_wait3A_455] : memref<10240x128xf32, #tpu.memory_space<vmem_shared>> -> memref<640x128xf32, #tpu.memory_space<vmem_shared>>
        tpu.wait_dma2 semaphore(%run_scoped3A : memref<!tpu.dma_semaphore, #tpu.memory_space<semaphore_mem>>) src(%dma_wait3A_456 : memref<640x128xf32, #tpu.memory_space<vmem_shared>>) dst(%dma_wait3A_454 : memref<640x128xf32, #tpu.memory_space<hbm>>)
        tpu.yield
      }) : () -> ()
    } else {
    }
    %eq3A_439 = arith.constant 15 : i32
    %eq3A_440 = arith.cmpi eq, %arg1, %eq3A_439 : i32
    %convert_element_type3A_441 = arith.extui %eq3A_440 : i1 to i32
    %cond3A_442 = arith.constant 0 : i32
    %cond3A_443 = arith.cmpi ne, %convert_element_type3A_441, %cond3A_442 : i32
    scf.if %cond3A_443 {
      "tpu.region"() ({
        %run_scoped3A = tpu.sem_alloc : memref<!tpu.dma_semaphore, #tpu.memory_space<semaphore_mem>>
        %dma_start3A_444 = arith.constant 9600 : i32
        %dma_start3A_445 = arith.constant 0 : i32
        %dma_start3A_446 = tpu.memref_slice %arg4[%arg0, %dma_start3A_444, %dma_start3A_445] : memref<2x10000x128xf32, #tpu.memory_space<hbm>> -> memref<1x400x128xf32, #tpu.memory_space<hbm>>
        %dma_start3A_447 = tpu.memref_squeeze %dma_start3A_446 : memref<1x400x128xf32, #tpu.memory_space<hbm>> -> memref<400x128xf32, #tpu.memory_space<hbm>>
        %dma_start3A_448 = arith.constant 9600 : i32
        %dma_start3A_449 = arith.constant 0 : i32
        %dma_start3A_450 = tpu.memref_slice %arg9[%dma_start3A_448, %dma_start3A_449] : memref<10240x128xf32, #tpu.memory_space<vmem_shared>> -> memref<400x128xf32, #tpu.memory_space<vmem_shared>>
        tpu.enqueue_dma source(%dma_start3A_450 : memref<400x128xf32, #tpu.memory_space<vmem_shared>>) target(%dma_start3A_447 : memref<400x128xf32, #tpu.memory_space<hbm>>) target_semaphore(%run_scoped3A : memref<!tpu.dma_semaphore, #tpu.memory_space<semaphore_mem>>)
        %dma_wait3A = arith.constant 9600 : i32
        %dma_wait3A_451 = arith.constant 0 : i32
        %dma_wait3A_452 = tpu.memref_slice %arg4[%arg0, %dma_wait3A, %dma_wait3A_451] : memref<2x10000x128xf32, #tpu.memory_space<hbm>> -> memref<1x400x128xf32, #tpu.memory_space<hbm>>
        %dma_wait3A_453 = tpu.memref_squeeze %dma_wait3A_452 : memref<1x400x128xf32, #tpu.memory_space<hbm>> -> memref<400x128xf32, #tpu.memory_space<hbm>>
        %dma_wait3A_454 = arith.constant 9600 : i32
        %dma_wait3A_455 = arith.constant 0 : i32
        %dma_wait3A_456 = tpu.memref_slice %arg9[%dma_wait3A_454, %dma_wait3A_455] : memref<10240x128xf32, #tpu.memory_space<vmem_shared>> -> memref<400x128xf32, #tpu.memory_space<vmem_shared>>
        tpu.wait_dma2 semaphore(%run_scoped3A : memref<!tpu.dma_semaphore, #tpu.memory_space<semaphore_mem>>) src(%dma_wait3A_456 : memref<400x128xf32, #tpu.memory_space<vmem_shared>>) dst(%dma_wait3A_453 : memref<400x128xf32, #tpu.memory_space<hbm>>)
        tpu.yield
      }) : () -> ()
    } else {
    }
    return
  }
}

module attributes {stable_mosaic.version = 14 : i64} {
  func.func @_h2_body(%arg0: i32, %arg1: memref<2000x256xf32, #tpu.memory_space<vmem>>, %arg2: memref<256x256xf32, #tpu.memory_space<vmem>>, %arg3: memref<2000x2xf32, #tpu.memory_space<vmem>>, %arg4: memref<2x2000x128xf32, #tpu.memory_space<vmem>>) attributes {dimension_semantics = [#tpu.dimension_semantics<arbitrary>], iteration_bounds = array<i64: 5>, scalar_prefetch = 0 : i64, scratch_operands = 0 : i64, tpu.core_type = #tpu.core_type<tc>, window_params = [{transform_indices = @transform_0, window_bounds = array<i64: 2000, 256>}, {pipeline_mode = #tpu.pipeline_mode<synchronous>, transform_indices = @transform_1, window_bounds = array<i64: 256, 256>}, {transform_indices = @transform_2, window_bounds = array<i64: 2000, 2>}, {transform_indices = @transform_3, window_bounds = array<i64: 2, 2000, 128>}]} {
    %get3A = arith.constant 0 : index
    %get3A_0 = arith.constant 0 : index
    %get3A_1 = vector.load %arg1[%get3A, %get3A_0] : memref<2000x256xf32, #tpu.memory_space<vmem>>, vector<2000x256xf32>
    %convert_element_type3A = arith.truncf %get3A_1 : vector<2000x256xf32> to vector<2000x256xbf16>
    %get3A_2 = arith.constant 0 : index
    %get3A_3 = arith.constant 0 : index
    %get3A_4 = vector.load %arg2[%get3A_2, %get3A_3] : memref<256x256xf32, #tpu.memory_space<vmem>>, vector<256x256xf32>
    %convert_element_type3A_5 = arith.truncf %get3A_4 : vector<256x256xf32> to vector<256x256xbf16>
    %dot_general3A = arith.constant dense<0.000000e+00> : vector<2000x256xf32>
    %dot_general3A_6 = tpu.matmul %convert_element_type3A, %convert_element_type3A_5, %dot_general3A {dimension_numbers = #tpu.dot_dimension_numbers<[1], [0], [0], [1], [0, 0, 1, 1], [], []>, transpose_lhs_hint = false} : vector<2000x256xbf16>, vector<256x256xbf16>, vector<2000x256xf32> -> vector<2000x256xf32>
    %get3A_7 = arith.constant 0 : index
    %get3A_8 = arith.constant 0 : index
    %get3A_9 = vector.load %arg3[%get3A_7, %get3A_8] : memref<2000x2xf32, #tpu.memory_space<vmem>>, vector<2000x1xf32>
    %add3A = arith.constant 1.000000e+00 : f32
    %add3A_10 = vector.broadcast %add3A : f32 to vector<2000x1xf32>
    %add3A_11 = arith.addf %add3A_10, %get3A_9 : vector<2000x1xf32>
    %get3A_12 = arith.constant 0 : index
    %get3A_13 = arith.constant 1 : index
    %get3A_14 = vector.load %arg3[%get3A_12, %get3A_13] : memref<2000x2xf32, #tpu.memory_space<vmem>>, vector<2000x1xf32>
    %add3A_15 = arith.addf %add3A_11, %get3A_14 : vector<2000x1xf32>
    %rsqrt3A = math.rsqrt %add3A_15 : vector<2000x1xf32>
    %slice3A = vector.extract_strided_slice %dot_general3A_6 {offsets = [0, 0], sizes = [2000, 128], strides = [1, 1]} : vector<2000x256xf32> to vector<2000x128xf32>
    %mul3A = vector.broadcast %rsqrt3A : vector<2000x1xf32> to vector<2000x128xf32>
    %mul3A_16 = arith.mulf %slice3A, %mul3A : vector<2000x128xf32>
    %swap3A = arith.constant 0 : index
    %swap3A_17 = arith.constant 0 : index
    %swap3A_18 = arith.constant 0 : index
    %swap3A_19 = vector.load %arg4[%swap3A, %swap3A_17, %swap3A_18] : memref<2x2000x128xf32, #tpu.memory_space<vmem>>, vector<1x2000x128xf32>
    %swap3A_20 = vector.shape_cast %swap3A_19 : vector<1x2000x128xf32> to vector<2000x128xf32>
    %swap3A_21 = vector.shape_cast %mul3A_16 : vector<2000x128xf32> to vector<1x2000x128xf32>
    tpu.vector_store %arg4[%swap3A, %swap3A_17, %swap3A_18], %swap3A_21 {strides = array<i32>} : memref<2x2000x128xf32, #tpu.memory_space<vmem>>, vector<1x2000x128xf32>,
    %slice3A_22 = vector.extract_strided_slice %dot_general3A_6 {offsets = [0, 128], sizes = [2000, 128], strides = [1, 1]} : vector<2000x256xf32> to vector<2000x128xf32>
    %mul3A_23 = vector.broadcast %rsqrt3A : vector<2000x1xf32> to vector<2000x128xf32>
    %mul3A_24 = arith.mulf %slice3A_22, %mul3A_23 : vector<2000x128xf32>
    %swap3A_25 = arith.constant 1 : index
    %swap3A_26 = arith.constant 0 : index
    %swap3A_27 = arith.constant 0 : index
    %swap3A_28 = vector.load %arg4[%swap3A_25, %swap3A_26, %swap3A_27] : memref<2x2000x128xf32, #tpu.memory_space<vmem>>, vector<1x2000x128xf32>
    %swap3A_29 = vector.shape_cast %swap3A_28 : vector<1x2000x128xf32> to vector<2000x128xf32>
    %swap3A_30 = vector.shape_cast %mul3A_24 : vector<2000x128xf32> to vector<1x2000x128xf32>
    tpu.vector_store %arg4[%swap3A_25, %swap3A_26, %swap3A_27], %swap3A_30 {strides = array<i32>} : memref<2x2000x128xf32, #tpu.memory_space<vmem>>, vector<1x2000x128xf32>,
    return
  }
  func.func @transform_0(%arg0: i32) -> (i32, i32) {
    %c0_i32 = arith.constant 0 : i32
    %c0_i32_0 = arith.constant 0 : i32
    return %arg0, %c0_i32 : i32, i32
  }
  func.func @transform_1(%arg0: i32) -> (i32, i32) {
    %c0_i32 = arith.constant 0 : i32
    %c0_i32_0 = arith.constant 0 : i32
    %c0_i32_1 = arith.constant 0 : i32
    return %c0_i32, %c0_i32_0 : i32, i32
  }
  func.func @transform_2(%arg0: i32) -> (i32, i32) {
    %c0_i32 = arith.constant 0 : i32
    %c0_i32_0 = arith.constant 0 : i32
    return %arg0, %c0_i32 : i32, i32
  }
  func.func @transform_3(%arg0: i32) -> (i32, i32, i32) {
    %c0_i32 = arith.constant 0 : i32
    %c0_i32_0 = arith.constant 0 : i32
    %c0_i32_1 = arith.constant 0 : i32
    return %c0_i32, %arg0, %c0_i32_0 : i32, i32, i32
  }
}

module attributes {stable_mosaic.version = 14 : i64} {
  func.func @_cls_body(%arg0: i32, %arg1: memref<2x2000x128xf32, #tpu.memory_space<vmem>>, %arg2: memref<2000x2xf32, #tpu.memory_space<vmem>>, %arg3: memref<256x64xf32, #tpu.memory_space<vmem>>, %arg4: memref<1x256xf32, #tpu.memory_space<vmem>>, %arg5: memref<1x64xf32, #tpu.memory_space<vmem>>, %arg6: memref<2000x64xf32, #tpu.memory_space<vmem>>) attributes {dimension_semantics = [#tpu.dimension_semantics<arbitrary>], iteration_bounds = array<i64: 5>, scalar_prefetch = 0 : i64, scratch_operands = 0 : i64, tpu.core_type = #tpu.core_type<tc>, window_params = [{transform_indices = @transform_0, window_bounds = array<i64: 2, 2000, 128>}, {transform_indices = @transform_1, window_bounds = array<i64: 2000, 2>}, {pipeline_mode = #tpu.pipeline_mode<synchronous>, transform_indices = @transform_2, window_bounds = array<i64: 256, 64>}, {pipeline_mode = #tpu.pipeline_mode<synchronous>, transform_indices = @transform_3, window_bounds = array<i64: 1, 256>}, {pipeline_mode = #tpu.pipeline_mode<synchronous>, transform_indices = @transform_4, window_bounds = array<i64: 1, 64>}, {transform_indices = @transform_5, window_bounds = array<i64: 2000, 64>}]} {
    %get3A = arith.constant 0 : index
    %get3A_0 = arith.constant 0 : index
    %get3A_1 = vector.load %arg2[%get3A, %get3A_0] : memref<2000x2xf32, #tpu.memory_space<vmem>>, vector<2000x1xf32>
    %add3A = arith.constant 1.000000e+00 : f32
    %add3A_2 = vector.broadcast %add3A : f32 to vector<2000x1xf32>
    %add3A_3 = arith.addf %add3A_2, %get3A_1 : vector<2000x1xf32>
    %get3A_4 = arith.constant 0 : index
    %get3A_5 = arith.constant 1 : index
    %get3A_6 = vector.load %arg2[%get3A_4, %get3A_5] : memref<2000x2xf32, #tpu.memory_space<vmem>>, vector<2000x1xf32>
    %add3A_7 = arith.addf %add3A_3, %get3A_6 : vector<2000x1xf32>
    %rsqrt3A = math.rsqrt %add3A_7 : vector<2000x1xf32>
    %get3A_8 = arith.constant 0 : index
    %get3A_9 = arith.constant 0 : index
    %get3A_10 = arith.constant 0 : index
    %get3A_11 = vector.load %arg1[%get3A_8, %get3A_9, %get3A_10] : memref<2x2000x128xf32, #tpu.memory_space<vmem>>, vector<1x2000x128xf32>
    %get3A_12 = vector.shape_cast %get3A_11 : vector<1x2000x128xf32> to vector<2000x128xf32>
    %mul3A = vector.broadcast %rsqrt3A : vector<2000x1xf32> to vector<2000x128xf32>
    %mul3A_13 = arith.mulf %get3A_12, %mul3A : vector<2000x128xf32>
    %get3A_14 = arith.constant 0 : index
    %get3A_15 = arith.constant 0 : index
    %get3A_16 = vector.load %arg4[%get3A_14, %get3A_15] : memref<1x256xf32, #tpu.memory_space<vmem>>, vector<1x128xf32>
    %add3A_17 = vector.broadcast %get3A_16 : vector<1x128xf32> to vector<2000x128xf32>
    %add3A_18 = arith.addf %mul3A_13, %add3A_17 : vector<2000x128xf32>
    %get3A_19 = arith.constant 1 : index
    %get3A_20 = arith.constant 0 : index
    %get3A_21 = arith.constant 0 : index
    %get3A_22 = vector.load %arg1[%get3A_19, %get3A_20, %get3A_21] : memref<2x2000x128xf32, #tpu.memory_space<vmem>>, vector<1x2000x128xf32>
    %get3A_23 = vector.shape_cast %get3A_22 : vector<1x2000x128xf32> to vector<2000x128xf32>
    %mul3A_24 = vector.broadcast %rsqrt3A : vector<2000x1xf32> to vector<2000x128xf32>
    %mul3A_25 = arith.mulf %get3A_23, %mul3A_24 : vector<2000x128xf32>
    %get3A_26 = arith.constant 0 : index
    %get3A_27 = arith.constant 128 : index
    %get3A_28 = vector.load %arg4[%get3A_26, %get3A_27] : memref<1x256xf32, #tpu.memory_space<vmem>>, vector<1x128xf32>
    %add3A_29 = vector.broadcast %get3A_28 : vector<1x128xf32> to vector<2000x128xf32>
    %add3A_30 = arith.addf %mul3A_25, %add3A_29 : vector<2000x128xf32>
    %get3A_31 = arith.constant 0 : index
    %get3A_32 = arith.constant 0 : index
    %get3A_33 = vector.load %arg3[%get3A_31, %get3A_32] : memref<256x64xf32, #tpu.memory_space<vmem>>, vector<128x64xf32>
    %dot_general3A = arith.constant dense<0.000000e+00> : vector<2000x64xf32>
    %dot_general3A_34 = tpu.matmul %add3A_18, %get3A_33, %dot_general3A {dimension_numbers = #tpu.dot_dimension_numbers<[1], [0], [0], [1], [0, 0, 1, 1], [], []>, transpose_lhs_hint = false} : vector<2000x128xf32>, vector<128x64xf32>, vector<2000x64xf32> -> vector<2000x64xf32>
    %get3A_35 = arith.constant 128 : index
    %get3A_36 = arith.constant 0 : index
    %get3A_37 = vector.load %arg3[%get3A_35, %get3A_36] : memref<256x64xf32, #tpu.memory_space<vmem>>, vector<128x64xf32>
    %dot_general3A_38 = arith.constant dense<0.000000e+00> : vector<2000x64xf32>
    %dot_general3A_39 = tpu.matmul %add3A_30, %get3A_37, %dot_general3A_38 {dimension_numbers = #tpu.dot_dimension_numbers<[1], [0], [0], [1], [0, 0, 1, 1], [], []>, transpose_lhs_hint = false} : vector<2000x128xf32>, vector<128x64xf32>, vector<2000x64xf32> -> vector<2000x64xf32>
    %add3A_40 = arith.addf %dot_general3A_34, %dot_general3A_39 : vector<2000x64xf32>
    %get3A_41 = arith.constant 0 : index
    %get3A_42 = arith.constant 0 : index
    %get3A_43 = vector.load %arg5[%get3A_41, %get3A_42] : memref<1x64xf32, #tpu.memory_space<vmem>>, vector<1x64xf32>
    %add3A_44 = vector.broadcast %get3A_43 : vector<1x64xf32> to vector<2000x64xf32>
    %add3A_45 = arith.addf %add3A_40, %add3A_44 : vector<2000x64xf32>
    %swap3A = arith.constant 0 : index
    %swap3A_46 = arith.constant 0 : index
    %swap3A_47 = vector.load %arg6[%swap3A, %swap3A_46] : memref<2000x64xf32, #tpu.memory_space<vmem>>, vector<2000x64xf32>
    tpu.vector_store %arg6[%swap3A, %swap3A_46], %add3A_45 {strides = array<i32>} : memref<2000x64xf32, #tpu.memory_space<vmem>>, vector<2000x64xf32>,
    return
  }
  func.func @transform_0(%arg0: i32) -> (i32, i32, i32) {
    %c0_i32 = arith.constant 0 : i32
    %c0_i32_0 = arith.constant 0 : i32
    %c0_i32_1 = arith.constant 0 : i32
    return %c0_i32, %arg0, %c0_i32_0 : i32, i32, i32
  }
  func.func @transform_1(%arg0: i32) -> (i32, i32) {
    %c0_i32 = arith.constant 0 : i32
    %c0_i32_0 = arith.constant 0 : i32
    return %arg0, %c0_i32 : i32, i32
  }
  func.func @transform_2(%arg0: i32) -> (i32, i32) {
    %c0_i32 = arith.constant 0 : i32
    %c0_i32_0 = arith.constant 0 : i32
    %c0_i32_1 = arith.constant 0 : i32
    return %c0_i32, %c0_i32_0 : i32, i32
  }
  func.func @transform_3(%arg0: i32) -> (i32, i32) {
    %c0_i32 = arith.constant 0 : i32
    %c0_i32_0 = arith.constant 0 : i32
    %c0_i32_1 = arith.constant 0 : i32
    return %c0_i32, %c0_i32_0 : i32, i32
  }
  func.func @transform_4(%arg0: i32) -> (i32, i32) {
    %c0_i32 = arith.constant 0 : i32
    %c0_i32_0 = arith.constant 0 : i32
    %c0_i32_1 = arith.constant 0 : i32
    return %c0_i32, %c0_i32_0 : i32, i32
  }
  func.func @transform_5(%arg0: i32) -> (i32, i32) {
    %c0_i32 = arith.constant 0 : i32
    %c0_i32_0 = arith.constant 0 : i32
    return %arg0, %c0_i32 : i32, i32
  }
}

</mosaic_0001>

<sc_bundles>
// kernel: kernel.6.cloned.1.call-start
scs
__scs_entry_jumppad:
0x0: {  	(pc) =	sbr.rel $0x88, $3  }
0x1: {  	(tag) =	ssettag $0x0;
	lr =	simm.s32 $0x1  }
0x2: {  	[smem:$0x3F9B] =	sst lr;
	_ =	strace $0xD0000000  }
0x3: {  	_ = 	snop  }
0x4: {  	_ = 	snop  }
0x5: {  	_ = 	snop  }
0x6: {  	_ = 	snop  }
0x7: {  	_ = 	snop  }
__scs_overlays_trampoline_lowered:
0x8: {  	[smem:$0x3FAA] =	sst s0  }
0x9: {  	[smem:$0x3FAB] =	sst s1  }
0xa: {  	[smem:$0x3FAC] =	sst s2  }
0xb: {  	[smem:$0x3FAD] =	sst s3  }
0xc: {  	[smem:$0x3FAE] =	sst s4  }
0xd: {  	[smem:$0x3FAF] =	sst s5  }
0xe: {  	[smem:$0x3FB0] =	sst s6  }
0xf: {  	[smem:$0x3FB1] =	sst s7  }
0x10: {  	[smem:$0x3FB2] =	sst s8  }
0x11: {  	[smem:$0x3FB3] =	sst s9;
	s0 =	simm.s32 @!p0 $0x0  }
0x12: {  	s1 =	sld [smem:$0x3F99];
	s0 =	simm.s32 @p0 $0x1  }
0x13: {  	[smem:$0x3FB4] =	sst s0;
	s0 =	simm.s32 @!p1 $0x0  }
0x14: {  	s2 =	sld [smem:$0x3F98];
	s0 =	simm.s32 @p1 $0x1  }
0x15: {  	[smem:$0x3FB5] =	sst s0;
	s0 =	simm.s32 @!p2 $0x0  }
0x16: {  	s3 =	sld [smem:$0x3FDB];
	s0 =	simm.s32 @p2 $0x1  }
0x17: {  	s4 =	simm.s32 $0x1BF5;
	[smem:$0x3FB7] =	sst s0  }
0x18: {  	s0 =	sld [smem:$0x3F9A];
	_ =	swait.ge [sflag:s4], $0x0  }
0x19: {  	s7 =	sld [smem:$0x3F9B]  }
0x1a: {  	s8 =	sadd.s32 $0xFFFFE003, lr  }
0x1b: {  	s9 =	sadd.s32 $0xFFFFFEF7, lr;
	s5 =	simm.s32 $0xFFFFFFFF;
	p2 =	slt.u32 s8, $0xFFFFF086  }
0x1c: {  	p1 =	slt.u32 s9, $0xF7A;
	s5 =	simm.s32 @!p2 $0x0  }
0x1d: {  	s5 =	simm.s32 @p1 $0x1;
	p0 =	seq.s32 s7, s2  }
0x1e: {  	s7 =	smul.u32 @!p0 $0xF7A, s2;
	p2 =	seq.s32 @!p0 s5, $0x0  }
0x1f: {  	s9 =	smul.u32 $0xF7A, s1;
	s8 =	simm.s32 @!p0 $0x1BF5;
	p2 =	por !p2, p0  }
0x20: {  	[sflag:s8] =	ssyncset.s32 @!p0 $0xFFFFF086;
	s6 =	sadd.s32 @!p0 s3, s7;
	s7 =	simm.s32 @!p0 $0x108  }
0x21: {  	s3 =	sadd.s32 s3, s9;
	s6 =	sadd.s32 @!p0 $0x88, s6;
	s7 =	simm.s32 @p2 $0x1082  }
0x22: {  	[simem:s7], [sflag:s8] =	dma.local @!p0 [hbm:s6], $0xF7A  }
0x23: {  	s9 =	sor.u32 $0xD0000000, s2;
	s6 =	simm.s32 $0x108;
	_ =	swait.ge @!p0 [sflag:s8], $0x0  }
0x24: {  	s3 =	sadd.s32 $0x88, s3;
	s6 =	simm.s32 @!p1 $0x1082;
	[sflag:s4] =	ssyncset.s32 $0xFFFFF086  }
0x25: {  	[simem:s6], [sflag:s4] =	dma.local [hbm:s3], $0xF7A  }
0x26: {  	[smem:$0x3F9B] =	sst s1;
	(tag) =	ssettag s2;
	_ =	strace s9  }
0x27: {  	s1 =	sld [smem:$0x3FAB]  }
0x28: {  	s2 =	sld [smem:$0x3FAC]  }
0x29: {  	s4 =	sld [smem:$0x3FAE]  }
0x2a: {  	p0 =	seq.s32 s5, $0x0;
	s5 =	sld [smem:$0x3FAF]  }
0x2b: {  	s6 =	sld [smem:$0x3FB0]  }
0x2c: {  	s7 =	sld [smem:$0x3FB1]  }
0x2d: {  	s3 =	simm.s32 $0x108;
	s8 =	sld [smem:$0x3FB2]  }
0x2e: {  	s3 =	simm.s32 @!p0 $0x1082;
	s9 =	sld [smem:$0x3FB3]  }
0x2f: {  	lr =	sadd.s32 s0, s3;
	s0 =	sld [smem:$0x3FAA]  }
0x30: {  	s3 =	sld [smem:$0x3FAD]  }
0x31: {  	[smem:$0x3FB6] =	sst s10  }
0x32: {  	s10 =	sld [smem:$0x3FB4];
	_ =	sdelay $0x3  }
0x33: {  	p0 =	seq.s32 s10, $0x1;
	s10 =	sld [smem:$0x3FB6];
	_ =	sdelay $0x3  }
0x34: {  	[smem:$0x3FB6] =	sst s10  }
0x35: {  	s10 =	sld [smem:$0x3FB5];
	_ =	sdelay $0x3  }
0x36: {  	p1 =	seq.s32 s10, $0x1;
	s10 =	sld [smem:$0x3FB6];
	_ =	sdelay $0x3  }
0x37: {  	[smem:$0x3FB6] =	sst s10  }
0x38: {  	s10 =	sld [smem:$0x3FB7]  }
0x39: {  	_ = 	snop;
	(pc) =	sbr.ind lr, $3  }
0x3a: {  	_ = 	snop  }
0x3b: {  	_ = 	snop  }
0x3c: {  	p2 =	seq.s32 s10, $0x1;
	s10 =	sld [smem:$0x3FB6]  }
0x3d: {  	_ =	shalt  }
0x3e: {  	_ =	shalt  }
0x3f: {  	_ =	shalt  }
0x40: {  	_ =	shalt  }
0x41: {  	_ =	shalt  }
0x42: {  	_ =	shalt  }
0x43: {  	_ =	shalt  }
0x44: {  	_ =	shalt  }
0x45: {  	_ =	shalt  }
0x46: {  	_ =	shalt  }
0x47: {  	_ =	shalt  }
0x48: {  	_ =	shalt  }
0x49: {  	_ =	shalt  }
0x4a: {  	_ =	shalt  }
0x4b: {  	_ =	shalt  }
0x4c: {  	_ =	shalt  }
0x4d: {  	_ =	shalt  }
0x4e: {  	_ =	shalt  }
0x4f: {  	_ =	shalt  }
0x50: {  	_ =	shalt  }
0x51: {  	_ =	shalt  }
0x52: {  	_ =	shalt  }
0x53: {  	_ =	shalt  }
0x54: {  	_ =	shalt  }
0x55: {  	_ =	shalt  }
0x56: {  	_ =	shalt  }
0x57: {  	_ =	shalt  }
0x58: {  	_ =	shalt  }
0x59: {  	_ =	shalt  }
0x5a: {  	_ =	shalt  }
0x5b: {  	_ =	shalt  }
0x5c: {  	_ =	shalt  }
0x5d: {  	_ =	shalt  }
0x5e: {  	_ =	shalt  }
0x5f: {  	_ =	shalt  }
0x60: {  	_ =	shalt  }
0x61: {  	_ =	shalt  }
0x62: {  	_ =	shalt  }
0x63: {  	_ =	shalt  }
0x64: {  	_ =	shalt  }
0x65: {  	_ =	shalt  }
0x66: {  	_ =	shalt  }
0x67: {  	_ =	shalt  }
0x68: {  	_ =	shalt  }
0x69: {  	_ =	shalt  }
0x6a: {  	_ =	shalt  }
0x6b: {  	_ =	shalt  }
0x6c: {  	_ =	shalt  }
0x6d: {  	_ =	shalt  }
0x6e: {  	_ =	shalt  }
0x6f: {  	_ =	shalt  }
0x70: {  	_ =	shalt  }
0x71: {  	_ =	shalt  }
0x72: {  	_ =	shalt  }
0x73: {  	_ =	shalt  }
0x74: {  	_ =	shalt  }
0x75: {  	_ =	shalt  }
0x76: {  	_ =	shalt  }
0x77: {  	_ =	shalt  }
0x78: {  	_ =	shalt  }
0x79: {  	_ =	shalt  }
0x7a: {  	_ =	shalt  }
0x7b: {  	_ =	shalt  }
0x7c: {  	_ =	shalt  }
0x7d: {  	_ =	shalt  }
0x7e: {  	_ =	shalt  }
0x7f: {  	_ =	shalt  }
0x80: {  	_ =	shalt  }
0x81: {  	_ =	shalt  }
0x82: {  	_ =	shalt  }
0x83: {  	_ =	shalt  }
0x84: {  	_ =	shalt  }
0x85: {  	_ =	shalt  }
0x86: {  	_ =	shalt  }
0x87: {  	_ =	shalt  }
.Lfunc_end0:
.L_simem_size_0:
called_computation_lowered:
.L_overlay_start_0:
0x88: {  	s2 =	sld [smem:$0x3FD9]  }
0x89: {  	s3 =	sld [smem:$0x3FFE];
	_ =	sdelay $0x1  }
0x8a: {  	s1 =	srdreg.scid  }
0x8b: {  	s0 =	sand.u32 $0x1, s1  }
0x8c: {  	s17 =	sshll.u32 s0, $0xA;
	s2 =	sadd.s32 s3, s2  }
0x8d: {  	s2 =	sadd.s32 s2, s17  }
0x8e: {  	[smem:$0x3FC2] =	sst s2  }
0x8f: {  	_ = 	snop  }
0x90: {  	s2 =	sld [smem:$0x3FD0];
	(tm) =	ssettm $0x1  }
0x91: {  	s18 =	sld [smem:$0x3FFB];
	_ =	sdelay $0x3  }
0x92: {  	_ =	strace s18  }
0x93: {  	s3 =	sld [smem:$0x3FFC];
	_ =	sdelay $0x3  }
0x94: {  	_ =	strace s3  }
0x95: {  	s3 =	sld [smem:$0x3FFD];
	_ =	sdelay $0x3  }
0x96: {  	_ =	strace s3  }
0x97: {  	_ =	strace $0x8FFFFFFF  }
0x98: {  	s19 =	sld [smem:$0x3FDB];
	_ =	sdelay $0x1  }
0x99: {  	s4 =	simm.s32 $_scs_section_size  }
0x9a: {  	s5 =	simm.s32 $_size__tile_overlayer_lowered;
	s6 =	simm.s32 $_tile_overlayer_lowered  }
0x9b: {  	s22 =	simm.s32 $0x1BFF;
	s21 =	sshll.u32 s6, $0x1;
	s3 =	sadd.s32 s4, s19  }
0x9c: {  	s7 =	simm.s32 $0x0;
	s20 =	sshll.u32 s5, $0x1;
	s5 =	sadd.s32 s21, s3  }
0x9d: {  	[timem:s7], [sflag:s22] =	dma.local [hbm:s5], s20  }
0x9e: {  	_ =	swait.ge [sflag:s22], s20  }
0x9f: {  	s4 =	ssub.s32 $0x0, s20;
	[sflag:s22] =	ssyncset.done $0x0  }
0xa0: {  	[sflag:s22] =	ssyncadd.s32 s4;
	_ =	sdelay $0x1  }
0xa1: {  	s23 =	simm.s32 $0x1B8B  }
0xa2: {  	_ =	swait.ge [sflag:s23], $0x1  }
0xa3: {  	[sflag:s23] =	ssyncset.done $0x0  }
0xa4: {  	s25 =	simm.s32 $0x1B8E;
	s24 =	sld [smem:$0x3FFE];
	[sflag:s23] =	ssyncadd.s32 $0xFFFFFFFF  }
0xa5: {  	s26 =	simm.s32 $execute0_lowered;
	[smem:$0x3FD2] =	sst s25  }
0xa6: {  	s5 =	sshll.u32 s26, $0x1;
	_ =	strace $0x80000046;
	[dreg:$0x1] =	wrdreg $0xFFFFFFFF  }
0xa7: {  	s28 =	simm.s32 $_size_execute0_lowered;
	s3 =	sadd.s32 s3, s5;
	[dreg:$0x0] =	wrdreg $0x0  }
0xa8: {  	s5 =	sshll.u32 s28, $0x1;
	[dreg:$0x2] =	wrdreg s3  }
0xa9: {  	[dreg:$0x3] =	wrdreg s5  }
0xaa: {  	[dreg:$0x4] =	wrdreg $0xC0  }
0xab: {  	_ =	task [dreg:s7], $0x5FFFF  }
0xac: {  	[dreg:$0x1] =	wrdreg $0xFFFFFFFF  }
0xad: {  	[dreg:$0x0] =	wrdreg $0x60  }
0xae: {  	[dreg:$0x2] =	wrdreg s2  }
0xaf: {  	[dreg:$0x3] =	wrdreg s24  }
0xb0: {  	[dreg:$0x4] =	wrdreg $0x2B000  }
0xb1: {  	[dreg:$0x5] =	wrdreg $0x9  }
0xb2: {  	_ =	task.clear_ibuf [dreg:s7], $0x6FFFF;
	_ =	strace $0x90000046  }
0xb3: {  	s29 =	simm.s32 $0x9;
	_ =	strace $0x80000048  }
0xb4: {  	_ =	swait.ge [sflag:s29], $0x1  }
0xb5: {  	[sflag:s29] =	ssyncadd.s32 $0xFFFFFFFF  }
0xb6: {  	_ =	strace $0x90000048  }
0xb7: {  	_ =	sfence  }
0xb8: {  	s30 =	sld [smem:$0x0];
	_ =	sdelay $0x2  }
0xb9: {  	s31 =	sshll.u32 s1, $0xD;
	s1 =	sshrl.u32 s1, $0x2  }
0xba: {  	s3 =	sand.u32 $0x4000, s31;
	s1 =	sadd.s32 s1, s30  }
0xbb: {  	s0 =	sor.u32 s3, s0;
	s1 =	sshll.u32 s1, $0x11  }
0xbc: {  	s0 =	sor.u32 s1, s0  }
0xbd: {  	s0 =	sadd.s32 $0x8F2B, s0  }
0xbe: {  	[sflag:s0] =	ssyncadd.remote.s32 $0x1  }
0xbf: {  	_ =	sfence.sel $0xFFFF  }
0xc0: {  	[dreg:$0x0] =	wrdreg $0xFFFFFFFF;
	(pc) =	sbr.abs _section_cstart, $3  }
0xc1: {  	[dreg:$0x1] =	wrdreg $0xFFFFFFFF  }
0xc2: {  	_ =	task.clear_ibuf [dreg:s7], $0x2FFFF;
	_ =	strace $0x9FFFFFFF  }
0xc3: {  	(tm) =	ssettm $0x7FFFFFFF  }
tec
execute0_lowered:
.L_overlay_start_1:
0x0: {  	(tag) =	ssettag $0x1  }
0x1: {  	s5 =	rddreg [dreg:$0x0]  }
0x2: {  	s4 =	rddreg [dreg:$0x1]  }
0x3: {  	s2 =	rddreg [dreg:$0x2];
	s3 =	srdreg.scid  }
0x4: {  	s1 =	stileid.u32;
	s0 =	rddreg [dreg:$0x3];
	s12 =	simm.s32 $0x1700  }
0x5: {  	s13 =	simm.s32 $0x80;
	s14 =	simm.s32 $0x280;
	s17 =	simm.s32 $0x0  }
0x6: {  	s6 =	sand.u32 $0x1, s3;
	s7 =	smul.u32 $0x280, s1;
	s3 =	simm.s32 $0x0  }
0x7: {  	s15 =	sshll.u32 s1, $0x6;
	s8 =	smul.u32 $0x2800, s6;
	s9 =	sshll.u32 s6, $0x4  }
0x8: {  	[smem:$0x7FF] =	sst s3;
	s6 =	ssub.s32 $0x2, s6;
	s15 =	sor.u32 $0x1C01, s15  }
0x9: {  	s9 =	sor.u32 s1, s9;
	s10 =	sshrl.u32 s6, $0x1;
	s8 =	sadd.s32 s7, s8  }
0xa: {  	s9 =	smul.u32 $0x280, s9;
	s10 =	ssub.s32 s6, s10;
	s6 =	sadd.s32 s7, s2  }
0xb: {  	_ =	strace $0x80000047;
	s8 =	sshrl.u32 s8, $0x3;
	s16 =	sshrl.u32 s6, $0x3  }
0xc: {  	s8 =	sadd.s32 s8, s4;
	s11 =	sadd.s32 s9, s4;
	s5 =	sadd.s32 s5, s9  }
0xd: {  	s9 =	smax.u32 s10, $0x1;
	s10 =	simm.s32 $0x300;
	s4 =	sadd.s32 $0x1400, s11  }
0xe: {  	v0 =	vimm.f32 $0.0e+00;
	v1 =	vimm.f32 $1.000000000e+00;
	s7 =	sadd.s32 $0x6E00, s11;
	s8 =	sadd.s32 $0x6400, s8;
	s11 =	simm.s32 $0x1  }
.LBB2_1:
0xf: {  	[tilespmem:s10], [sflag:$0x1] =	stream.linear.gather [hbm4b:s4+s3], $0x1400, $0x38;
	[tilespmem:$0x2D80] =	vst v63  }
0x10: {  	_ =	swait.ge [sflag:s11], $0x1400  }
0x11: {  	[sflag:s11] =	ssyncset.done $0x0  }
0x12: {  	[sflag:s11] =	ssyncadd.s32 $0xFFFFEC00  }
0x13: {  	[tilespmem:s12], [sflag:$0x1] =	stream.linear.gather [hbm4b:s5+s3], $0x1400, $0x38;
	[tilespmem:$0x2D80] =	vst v63  }
0x14: {  	_ =	swait.ge [sflag:s11], $0x1400  }
0x15: {  	[sflag:s11] =	ssyncset.done $0x0  }
0x16: {  	[sflag:s11] =	ssyncadd.s32 $0xFFFFEC00  }
0x17: {  	[tilespmem:$0x0] =	vst v0  }
0x18: {  	[tilespmem:$0x10] =	vst v0  }
0x19: {  	[tilespmem:$0x20] =	vst v0  }
0x1a: {  	[tilespmem:$0x30] =	vst v0  }
0x1b: {  	[tilespmem:$0x40] =	vst v0  }
0x1c: {  	[tilespmem:$0x50] =	vst v0  }
0x1d: {  	[tilespmem:$0x60] =	vst v0  }
0x1e: {  	[tilespmem:$0x70] =	vst v0  }
0x1f: {  	[tilespmem:$0x80] =	vst v0  }
0x20: {  	[tilespmem:$0x90] =	vst v0  }
0x21: {  	[tilespmem:$0xA0] =	vst v0  }
0x22: {  	[tilespmem:$0xB0] =	vst v0  }
0x23: {  	[tilespmem:$0xC0] =	vst v0  }
0x24: {  	[tilespmem:$0xD0] =	vst v0  }
0x25: {  	[tilespmem:$0xE0] =	vst v0  }
0x26: {  	[tilespmem:$0xF0] =	vst v0  }
0x27: {  	[tilespmem:$0x100] =	vst v0  }
0x28: {  	[tilespmem:$0x110] =	vst v0  }
0x29: {  	[tilespmem:$0x120] =	vst v0  }
0x2a: {  	[tilespmem:$0x130] =	vst v0  }
0x2b: {  	[tilespmem:$0x140] =	vst v0  }
0x2c: {  	[tilespmem:$0x150] =	vst v0  }
0x2d: {  	[tilespmem:$0x160] =	vst v0  }
0x2e: {  	[tilespmem:$0x170] =	vst v0  }
0x2f: {  	[tilespmem:$0x180] =	vst v0  }
0x30: {  	[tilespmem:$0x190] =	vst v0  }
0x31: {  	[tilespmem:$0x1A0] =	vst v0  }
0x32: {  	[tilespmem:$0x1B0] =	vst v0  }
0x33: {  	[tilespmem:$0x1C0] =	vst v0  }
0x34: {  	[tilespmem:$0x1D0] =	vst v0  }
0x35: {  	[tilespmem:$0x1E0] =	vst v0  }
0x36: {  	[tilespmem:$0x1F0] =	vst v0  }
0x37: {  	[tilespmem:$0x200] =	vst v0  }
0x38: {  	[tilespmem:$0x210] =	vst v0  }
0x39: {  	[tilespmem:$0x220] =	vst v0  }
0x3a: {  	[tilespmem:$0x230] =	vst v0  }
0x3b: {  	[tilespmem:$0x240] =	vst v0  }
0x3c: {  	[tilespmem:$0x250] =	vst v0  }
0x3d: {  	[tilespmem:$0x260] =	vst v0  }
0x3e: {  	[tilespmem:$0x270] =	vst v0  }
0x3f: {  	[tilespmem:$0x280] =	vst v1  }
0x40: {  	[tilespmem:$0x290] =	vst v1  }
0x41: {  	[tilespmem:$0x2A0] =	vst v1  }
0x42: {  	[tilespmem:$0x2B0] =	vst v1  }
0x43: {  	[tilespmem:$0x2C0] =	vst v1  }
0x44: {  	[tilespmem:$0x2D0] =	vst v1  }
0x45: {  	[tilespmem:$0x2E0] =	vst v1  }
0x46: {  	[tilespmem:$0x2F0] =	vst v1  }
0x47: {  	[spmem:s6] =	stream.linear.scatter [tilespmem:s3], [sflag:$0x1], $0x280, $0x38;
	[tilespmem:$0x2D80] =	vst v63  }
0x48: {  	_ =	swait.ge [sflag:s11], $0x280  }
0x49: {  	[sflag:s11] =	ssyncset.done $0x0  }
0x4a: {  	[sflag:s11] =	ssyncadd.s32 $0xFFFFFD80  }
0x4b: {  	s18 =	simm.s32 $0x300;
	[bflag:$0x0] =	sbarrier.arrive $0xFFFF  }
0x4c: {  	[spmem:s2] =	stream.indirect.scatter.add.f32 [tilespmem:s14], [sflag:$0x1], $0x1, s18, s13, $0xb8;
	[tilespmem:$0x2D80] =	vst v63  }
0x4d: {  	_ =	swait.ge [sflag:s11], $0x80  }
0x4e: {  	[sflag:s11] =	ssyncset.done $0x0  }
0x4f: {  	s18 =	simm.s32 $0x0;
	[sflag:s11] =	ssyncadd.s32 $0xFFFFFF80  }
0x50: {  	v3 =	vld [tilespmem:s18+$0x1730]  }
0x51: {  	v2 =	vld [tilespmem:s18+$0x1700]  }
0x52: {  	v5 =	vld [tilespmem:s18+$0x1740]  }
0x53: {  	v4 =	vld [tilespmem:s18+$0x1750]  }
0x54: {  	v7 =	vld [tilespmem:s18+$0x1770]  }
0x55: {  	s19 =	simm.s32 $0x200;
	v6 =	vld [tilespmem:s18+$0x1710]  }
.LBB2_2:
0x56: {  	p0 =	sne.s32 s19, $0x4E00;
	v8 =	vld [tilespmem:s18+$0x370];
	s20 =	smov.u32 s19;
	s19 =	sadd.s32 $0x200, s19  }
0x57: {  	v9 =	vld [tilespmem:s18+$0x1760]  }
0x58: {  	v10 =	vld [tilespmem:s18+$0x360]  }
0x59: {  	v11 =	vld [tilespmem:s18+$0x340]  }
0x5a: {  	v12 =	vld [tilespmem:s18+$0x310]  }
0x5b: {  	v13 =	vld [tilespmem:s18+$0x350];
	v8 =	vshll.u32 v8, $0x10  }
0x5c: {  	v14 =	vld [tilespmem:s18+$0x330];
	v7 =	vor.u32 v7, v8  }
0x5d: {  	v8 =	vld [tilespmem:s18+$0x300];
	v10 =	vshll.u32 v10, $0x10;
	[tilespmem:s18+$0x370] =	vst v7  }
0x5e: {  	v7 =	vld [tilespmem:s18+$0x320];
	v11 =	vshll.u32 v11, $0x10;
	v9 =	vor.u32 v9, v10  }
0x5f: {  	v10 =	vshll.u32 v12, $0x10;
	v12 =	vld [tilespmem:s18+$0x1720];
	v5 =	vor.u32 v5, v11;
	[tilespmem:s18+$0x360] =	vst v9  }
0x60: {  	v6 =	vor.u32 v6, v10;
	[tilespmem:s18+$0x340] =	vst v5;
	v5 =	vshll.u32 v13, $0x10  }
0x61: {  	[tilespmem:s18+$0x310] =	vst v6;
	v6 =	vshll.u32 v14, $0x10;
	v4 =	vor.u32 v4, v5  }
0x62: {  	v5 =	vshll.u32 v8, $0x10;
	v3 =	vor.u32 v3, v6;
	[tilespmem:s18+$0x350] =	vst v4  }
0x63: {  	s20 =	sshra.s32 s20, $0x2;
	v2 =	vor.u32 v2, v5;
	v4 =	vshll.u32 v7, $0x10;
	[tilespmem:s18+$0x330] =	vst v3  }
0x64: {  	s21 =	sadd.s32 $0x300, s20;
	[tilespmem:s18+$0x300] =	vst v2;
	v2 =	vor.u32 v12, v4  }
0x65: {  	[tilespmem:s18+$0x320] =	vst v2;
	s18 =	smov.u32 s20  }
0x66: {  	[spmem:s2] =	stream.indirect.scatter.add.f32 [tilespmem:s14], [sflag:$0x1], $0x1, s21, s13, $0xb8;
	[tilespmem:$0x2D80] =	vst v63  }
0x67: {  	_ =	swait.ge [sflag:s11], $0x80  }
0x68: {  	[sflag:s11] =	ssyncset.done $0x0  }
0x69: {  	[sflag:s11] =	ssyncadd.s32 $0xFFFFFF80  }
0x6a: {  	v3 =	vld [tilespmem:s18+$0x1730]  }
.Ltmp0:
0x6b: {  	v2 =	vld [tilespmem:s18+$0x1700];
	(pc) =	sbr.rel @p0 .LBB2_2-.Ltmp0, $4  }
0x6c: {  	v5 =	vld [tilespmem:s18+$0x1740]  }
0x6d: {  	v4 =	vld [tilespmem:s18+$0x1750]  }
0x6e: {  	v7 =	vld [tilespmem:s18+$0x1770]  }
0x6f: {  	v6 =	vld [tilespmem:s18+$0x1710]  }
0x70: {  	v8 =	vld [tilespmem:s18+$0x370]  }
0x71: {  	v9 =	vld [tilespmem:s18+$0x1760]  }
0x72: {  	v11 =	vld [tilespmem:s18+$0x340]  }
0x73: {  	v12 =	vld [tilespmem:s18+$0x310]  }
0x74: {  	v13 =	vld [tilespmem:s18+$0x350]  }
0x75: {  	v14 =	vld [tilespmem:s18+$0x330]  }
0x76: {  	v56 =	vld [tilespmem:s18+$0x300];
	v8 =	vshll.u32 v8, $0x10  }
0x77: {  	v10 =	vld [tilespmem:s18+$0x360];
	v11 =	vshll.u32 v11, $0x10;
	v7 =	vor.u32 v7, v8  }
0x78: {  	v58 =	vld [tilespmem:s18+$0x320];
	v12 =	vshll.u32 v12, $0x10;
	v5 =	vor.u32 v5, v11;
	[tilespmem:s18+$0x370] =	vst v7  }
0x79: {  	v59 =	vld [tilespmem:s18+$0x1720];
	v60 =	vshll.u32 v13, $0x10;
	v6 =	vor.u32 v6, v12;
	[tilespmem:s18+$0x340] =	vst v5  }
0x7a: {  	v61 =	vshll.u32 v14, $0x10;
	v4 =	vor.u32 v4, v60;
	[tilespmem:s18+$0x310] =	vst v6  }
0x7b: {  	v62 =	vshll.u32 v56, $0x10;
	v3 =	vor.u32 v3, v61;
	[tilespmem:s18+$0x350] =	vst v4  }
0x7c: {  	v57 =	vshll.u32 v10, $0x10;
	v2 =	vor.u32 v2, v62;
	[tilespmem:s18+$0x330] =	vst v3  }
0x7d: {  	v63 =	vshll.u32 v58, $0x10;
	v7 =	vor.u32 v9, v57;
	[tilespmem:s18+$0x300] =	vst v2  }
0x7e: {  	v2 =	vor.u32 v59, v63;
	[tilespmem:s18+$0x360] =	vst v7  }
0x7f: {  	[tilespmem:s18+$0x320] =	vst v2  }
0x80: {  	[hbm4b:s7+s3] =	stream.linear.scatter [tilespmem:s10], [sflag:$0x1], $0x1400, $0x38;
	[tilespmem:$0x2D80] =	vst v63  }
0x81: {  	_ =	swait.ge [sflag:s11], $0x1400  }
0x82: {  	s17 =	sadd.s32 $0x1, s17;
	[sflag:s11] =	ssyncset.done $0x0  }
0x83: {  	p0 =	sne.s32 s17, s9;
	[sflag:s11] =	ssyncadd.s32 $0xFFFFEC00  }
.Ltmp1:
0x84: {  	[bflag:$0x0] =	sbarrier.arrive $0xFFFF;
	(pc) =	sbr.rel @p0 .LBB2_1-.Ltmp1, $4  }
0x85: {  	[hbm:s8], [sflag:s15] =	dma.local [spmem:s16], $0x50  }
0x86: {  	_ =	swait.ge [sflag:s11], $0x50  }
0x87: {  	[sflag:s11] =	ssyncset.done $0x0  }
0x88: {  	[sflag:s11] =	ssyncadd.s32 $0xFFFFFFB0  }
0x89: {  	_ =	sfence.sel $0x180000  }
0x8a: {  	[bflag:$0x0] =	sbarrier.arrive $0xFFFF  }
0x8b: {  	p0 =	sne.s32 s1, $0x0;
	_ =	strace $0x90000047  }
0x8c: {  	s0 =	sadd.s32 @!p0 $0x100000, s0;
	[bflag:$0x2] =	sbarrier.arrive $0xFFFF  }
0x8d: {  	[sflag:s0] =	ssyncadd.tile.s32 @!p0 $0x1;
	_ =	shalt  }
.Lfunc_end2:
_tile_overlayer_lowered:
.L_overlay_start_2:
0x8e: {  	(tag) =	ssettag $0x2  }
0x8f: {  	s0 =	rddreg [dreg:$0x0];
	s2 =	stileid.u32  }
0x90: {  	s1 =	rddreg [dreg:$0x1];
	p0 =	sne.s32 s2, $0x0  }
0x91: {  	s3 =	rddreg [dreg:$0x2];
	[bflag:$0x3] =	sbarrier.arrive $0xFFFF;
	s2 =	simm.s32 @!p0 $0x1C01  }
0x92: {  	[timem:s3], [sflag:s2] =	dma.local @!p0 [hbm:s0], s1  }
0x93: {  	s0 =	simm.s32 @!p0 $0x1  }
0x94: {  	_ =	swait.ge @!p0 [sflag:s0], s1  }
0x95: {  	s1 =	ssub.s32 @!p0 $0x0, s1;
	[sflag:s0] =	ssyncset.done @!p0 $0x0  }
0x96: {  	[sflag:s0] =	ssyncadd.s32 @!p0 s1  }
0x97: {  	[bflag:$0x3] =	sbarrier.arrive $0xFFFF  }
0x98: {  	_ =	shalt  }

// kernel: kernel.9.cloned.1.call-start
scs
__scs_entry_jumppad:
0x0: {  	(pc) =	sbr.rel $0x88, $3  }
0x1: {  	(tag) =	ssettag $0x0;
	lr =	simm.s32 $0x1  }
0x2: {  	[smem:$0x3F9B] =	sst lr;
	_ =	strace $0xD0000000  }
0x3: {  	_ = 	snop  }
0x4: {  	_ = 	snop  }
0x5: {  	_ = 	snop  }
0x6: {  	_ = 	snop  }
0x7: {  	_ = 	snop  }
__scs_overlays_trampoline_lowered:
0x8: {  	[smem:$0x3FAA] =	sst s0  }
0x9: {  	[smem:$0x3FAB] =	sst s1  }
0xa: {  	[smem:$0x3FAC] =	sst s2  }
0xb: {  	[smem:$0x3FAD] =	sst s3  }
0xc: {  	[smem:$0x3FAE] =	sst s4  }
0xd: {  	[smem:$0x3FAF] =	sst s5  }
0xe: {  	[smem:$0x3FB0] =	sst s6  }
0xf: {  	[smem:$0x3FB1] =	sst s7  }
0x10: {  	[smem:$0x3FB2] =	sst s8  }
0x11: {  	[smem:$0x3FB3] =	sst s9;
	s0 =	simm.s32 @!p0 $0x0  }
0x12: {  	s1 =	sld [smem:$0x3F99];
	s0 =	simm.s32 @p0 $0x1  }
0x13: {  	[smem:$0x3FB4] =	sst s0;
	s0 =	simm.s32 @!p1 $0x0  }
0x14: {  	s2 =	sld [smem:$0x3F98];
	s0 =	simm.s32 @p1 $0x1  }
0x15: {  	[smem:$0x3FB5] =	sst s0;
	s0 =	simm.s32 @!p2 $0x0  }
0x16: {  	s3 =	sld [smem:$0x3FDB];
	s0 =	simm.s32 @p2 $0x1  }
0x17: {  	s4 =	simm.s32 $0x1BF5;
	[smem:$0x3FB7] =	sst s0  }
0x18: {  	s0 =	sld [smem:$0x3F9A];
	_ =	swait.ge [sflag:s4], $0x0  }
0x19: {  	s7 =	sld [smem:$0x3F9B]  }
0x1a: {  	s8 =	sadd.s32 $0xFFFFE003, lr  }
0x1b: {  	s9 =	sadd.s32 $0xFFFFFEF7, lr;
	s5 =	simm.s32 $0xFFFFFFFF;
	p2 =	slt.u32 s8, $0xFFFFF086  }
0x1c: {  	p1 =	slt.u32 s9, $0xF7A;
	s5 =	simm.s32 @!p2 $0x0  }
0x1d: {  	s5 =	simm.s32 @p1 $0x1;
	p0 =	seq.s32 s7, s2  }
0x1e: {  	s7 =	smul.u32 @!p0 $0xF7A, s2;
	p2 =	seq.s32 @!p0 s5, $0x0  }
0x1f: {  	s9 =	smul.u32 $0xF7A, s1;
	s8 =	simm.s32 @!p0 $0x1BF5;
	p2 =	por !p2, p0  }
0x20: {  	[sflag:s8] =	ssyncset.s32 @!p0 $0xFFFFF086;
	s6 =	sadd.s32 @!p0 s3, s7;
	s7 =	simm.s32 @!p0 $0x108  }
0x21: {  	s3 =	sadd.s32 s3, s9;
	s6 =	sadd.s32 @!p0 $0x88, s6;
	s7 =	simm.s32 @p2 $0x1082  }
0x22: {  	[simem:s7], [sflag:s8] =	dma.local @!p0 [hbm:s6], $0xF7A  }
0x23: {  	s9 =	sor.u32 $0xD0000000, s2;
	s6 =	simm.s32 $0x108;
	_ =	swait.ge @!p0 [sflag:s8], $0x0  }
0x24: {  	s3 =	sadd.s32 $0x88, s3;
	s6 =	simm.s32 @!p1 $0x1082;
	[sflag:s4] =	ssyncset.s32 $0xFFFFF086  }
0x25: {  	[simem:s6], [sflag:s4] =	dma.local [hbm:s3], $0xF7A  }
0x26: {  	[smem:$0x3F9B] =	sst s1;
	(tag) =	ssettag s2;
	_ =	strace s9  }
0x27: {  	s1 =	sld [smem:$0x3FAB]  }
0x28: {  	s2 =	sld [smem:$0x3FAC]  }
0x29: {  	s4 =	sld [smem:$0x3FAE]  }
0x2a: {  	p0 =	seq.s32 s5, $0x0;
	s5 =	sld [smem:$0x3FAF]  }
0x2b: {  	s6 =	sld [smem:$0x3FB0]  }
0x2c: {  	s7 =	sld [smem:$0x3FB1]  }
0x2d: {  	s3 =	simm.s32 $0x108;
	s8 =	sld [smem:$0x3FB2]  }
0x2e: {  	s3 =	simm.s32 @!p0 $0x1082;
	s9 =	sld [smem:$0x3FB3]  }
0x2f: {  	lr =	sadd.s32 s0, s3;
	s0 =	sld [smem:$0x3FAA]  }
0x30: {  	s3 =	sld [smem:$0x3FAD]  }
0x31: {  	[smem:$0x3FB6] =	sst s10  }
0x32: {  	s10 =	sld [smem:$0x3FB4];
	_ =	sdelay $0x3  }
0x33: {  	p0 =	seq.s32 s10, $0x1;
	s10 =	sld [smem:$0x3FB6];
	_ =	sdelay $0x3  }
0x34: {  	[smem:$0x3FB6] =	sst s10  }
0x35: {  	s10 =	sld [smem:$0x3FB5];
	_ =	sdelay $0x3  }
0x36: {  	p1 =	seq.s32 s10, $0x1;
	s10 =	sld [smem:$0x3FB6];
	_ =	sdelay $0x3  }
0x37: {  	[smem:$0x3FB6] =	sst s10  }
0x38: {  	s10 =	sld [smem:$0x3FB7]  }
0x39: {  	_ = 	snop;
	(pc) =	sbr.ind lr, $3  }
0x3a: {  	_ = 	snop  }
0x3b: {  	_ = 	snop  }
0x3c: {  	p2 =	seq.s32 s10, $0x1;
	s10 =	sld [smem:$0x3FB6]  }
0x3d: {  	_ =	shalt  }
0x3e: {  	_ =	shalt  }
0x3f: {  	_ =	shalt  }
0x40: {  	_ =	shalt  }
0x41: {  	_ =	shalt  }
0x42: {  	_ =	shalt  }
0x43: {  	_ =	shalt  }
0x44: {  	_ =	shalt  }
0x45: {  	_ =	shalt  }
0x46: {  	_ =	shalt  }
0x47: {  	_ =	shalt  }
0x48: {  	_ =	shalt  }
0x49: {  	_ =	shalt  }
0x4a: {  	_ =	shalt  }
0x4b: {  	_ =	shalt  }
0x4c: {  	_ =	shalt  }
0x4d: {  	_ =	shalt  }
0x4e: {  	_ =	shalt  }
0x4f: {  	_ =	shalt  }
0x50: {  	_ =	shalt  }
0x51: {  	_ =	shalt  }
0x52: {  	_ =	shalt  }
0x53: {  	_ =	shalt  }
0x54: {  	_ =	shalt  }
0x55: {  	_ =	shalt  }
0x56: {  	_ =	shalt  }
0x57: {  	_ =	shalt  }
0x58: {  	_ =	shalt  }
0x59: {  	_ =	shalt  }
0x5a: {  	_ =	shalt  }
0x5b: {  	_ =	shalt  }
0x5c: {  	_ =	shalt  }
0x5d: {  	_ =	shalt  }
0x5e: {  	_ =	shalt  }
0x5f: {  	_ =	shalt  }
0x60: {  	_ =	shalt  }
0x61: {  	_ =	shalt  }
0x62: {  	_ =	shalt  }
0x63: {  	_ =	shalt  }
0x64: {  	_ =	shalt  }
0x65: {  	_ =	shalt  }
0x66: {  	_ =	shalt  }
0x67: {  	_ =	shalt  }
0x68: {  	_ =	shalt  }
0x69: {  	_ =	shalt  }
0x6a: {  	_ =	shalt  }
0x6b: {  	_ =	shalt  }
0x6c: {  	_ =	shalt  }
0x6d: {  	_ =	shalt  }
0x6e: {  	_ =	shalt  }
0x6f: {  	_ =	shalt  }
0x70: {  	_ =	shalt  }
0x71: {  	_ =	shalt  }
0x72: {  	_ =	shalt  }
0x73: {  	_ =	shalt  }
0x74: {  	_ =	shalt  }
0x75: {  	_ =	shalt  }
0x76: {  	_ =	shalt  }
0x77: {  	_ =	shalt  }
0x78: {  	_ =	shalt  }
0x79: {  	_ =	shalt  }
0x7a: {  	_ =	shalt  }
0x7b: {  	_ =	shalt  }
0x7c: {  	_ =	shalt  }
0x7d: {  	_ =	shalt  }
0x7e: {  	_ =	shalt  }
0x7f: {  	_ =	shalt  }
0x80: {  	_ =	shalt  }
0x81: {  	_ =	shalt  }
0x82: {  	_ =	shalt  }
0x83: {  	_ =	shalt  }
0x84: {  	_ =	shalt  }
0x85: {  	_ =	shalt  }
0x86: {  	_ =	shalt  }
0x87: {  	_ =	shalt  }
.Lfunc_end0:
.L_simem_size_0:
called_computation.1_lowered:
.L_overlay_start_0:
0x88: {  	s2 =	sld [smem:$0x3FD9]  }
0x89: {  	s3 =	sld [smem:$0x3FFE];
	_ =	sdelay $0x1  }
0x8a: {  	s1 =	srdreg.scid  }
0x8b: {  	s0 =	sand.u32 $0x1, s1  }
0x8c: {  	s16 =	sshll.u32 s0, $0xA;
	s2 =	sadd.s32 s3, s2  }
0x8d: {  	s2 =	sadd.s32 s2, s16  }
0x8e: {  	[smem:$0x3FC2] =	sst s2  }
0x8f: {  	_ = 	snop  }
0x90: {  	(tm) =	ssettm $0x1  }
0x91: {  	s17 =	sld [smem:$0x3FFB];
	_ =	sdelay $0x3  }
0x92: {  	_ =	strace s17  }
0x93: {  	s2 =	sld [smem:$0x3FFC];
	_ =	sdelay $0x3  }
0x94: {  	_ =	strace s2  }
0x95: {  	s2 =	sld [smem:$0x3FFD];
	_ =	sdelay $0x3  }
0x96: {  	_ =	strace s2  }
0x97: {  	_ =	strace $0x8FFFFFFF  }
0x98: {  	s18 =	sld [smem:$0x3FDB];
	_ =	sdelay $0x1  }
0x99: {  	s19 =	simm.s32 $_scs_section_size  }
0x9a: {  	s4 =	simm.s32 $_size__tile_overlayer_lowered;
	s5 =	simm.s32 $_tile_overlayer_lowered  }
0x9b: {  	s22 =	simm.s32 $0x1BFF;
	s21 =	sshll.u32 s5, $0x1;
	s2 =	sadd.s32 s19, s18  }
0x9c: {  	s6 =	simm.s32 $0x0;
	s20 =	sshll.u32 s4, $0x1;
	s4 =	sadd.s32 s21, s2  }
0x9d: {  	[timem:s6], [sflag:s22] =	dma.local [hbm:s4], s20  }
0x9e: {  	_ =	swait.ge [sflag:s22], s20  }
0x9f: {  	s3 =	ssub.s32 $0x0, s20;
	[sflag:s22] =	ssyncset.done $0x0  }
0xa0: {  	[sflag:s22] =	ssyncadd.s32 s3;
	_ =	sdelay $0x1  }
0xa1: {  	s23 =	simm.s32 $0x1B8B  }
0xa2: {  	_ =	swait.ge [sflag:s23], $0x1  }
0xa3: {  	[sflag:s23] =	ssyncset.done $0x0  }
0xa4: {  	s25 =	simm.s32 $0x1B8E;
	s24 =	sld [smem:$0x3FFE];
	[sflag:s23] =	ssyncadd.s32 $0xFFFFFFFF  }
0xa5: {  	s26 =	simm.s32 $execute0_lowered;
	[smem:$0x3FD2] =	sst s25  }
0xa6: {  	s4 =	sshll.u32 s26, $0x1;
	_ =	strace $0x80000049;
	[dreg:$0x1] =	wrdreg $0xFFFFFFFF  }
0xa7: {  	s28 =	simm.s32 $_size_execute0_lowered;
	s2 =	sadd.s32 s2, s4;
	[dreg:$0x0] =	wrdreg $0x0  }
0xa8: {  	s4 =	sshll.u32 s28, $0x1;
	[dreg:$0x2] =	wrdreg s2  }
0xa9: {  	[dreg:$0x3] =	wrdreg s4  }
0xaa: {  	[dreg:$0x4] =	wrdreg $0xC0  }
0xab: {  	_ =	task [dreg:s6], $0x5FFFF  }
0xac: {  	[dreg:$0x1] =	wrdreg $0xFFFFFFFF  }
0xad: {  	[dreg:$0x0] =	wrdreg $0x60  }
0xae: {  	[dreg:$0x2] =	wrdreg s24  }
0xaf: {  	[dreg:$0x3] =	wrdreg $0xAA000  }
0xb0: {  	[dreg:$0x4] =	wrdreg $0x9  }
0xb1: {  	_ =	task.clear_ibuf [dreg:s6], $0x5FFFF;
	_ =	strace $0x90000049  }
0xb2: {  	s29 =	simm.s32 $0x9;
	_ =	strace $0x8000004B  }
0xb3: {  	_ =	swait.ge [sflag:s29], $0x1  }
0xb4: {  	[sflag:s29] =	ssyncadd.s32 $0xFFFFFFFF  }
0xb5: {  	_ =	strace $0x9000004B  }
0xb6: {  	_ =	sfence  }
0xb7: {  	s30 =	sld [smem:$0x0];
	_ =	sdelay $0x2  }
0xb8: {  	s31 =	sshll.u32 s1, $0xD;
	s1 =	sshrl.u32 s1, $0x2  }
0xb9: {  	s3 =	sand.u32 $0x4000, s31;
	s1 =	sadd.s32 s1, s30  }
0xba: {  	s0 =	sor.u32 s3, s0;
	s1 =	sshll.u32 s1, $0x11  }
0xbb: {  	s0 =	sor.u32 s1, s0  }
0xbc: {  	s0 =	sadd.s32 $0x8F2B, s0  }
0xbd: {  	[sflag:s0] =	ssyncadd.remote.s32 $0x1  }
0xbe: {  	_ =	sfence.sel $0xFFFF  }
0xbf: {  	[dreg:$0x0] =	wrdreg $0xFFFFFFFF;
	(pc) =	sbr.abs _section_cstart, $3  }
0xc0: {  	[dreg:$0x1] =	wrdreg $0xFFFFFFFF  }
0xc1: {  	_ =	task.clear_ibuf [dreg:s6], $0x2FFFF;
	_ =	strace $0x9FFFFFFF  }
0xc2: {  	(tm) =	ssettm $0x7FFFFFFF  }
0xc3: {  	_ =	shalt  }
tec
execute0_lowered:
.L_overlay_start_1:
0x0: {  	(tag) =	ssettag $0x1  }
0x1: {  	s5 =	rddreg [dreg:$0x0]  }
0x2: {  	s2 =	rddreg [dreg:$0x1]  }
0x3: {  	s0 =	rddreg [dreg:$0x2];
	s1 =	stileid.u32  }
0x4: {  	s4 =	srdreg.scid;
	s3 =	simm.s32 $0x0;
	s15 =	simm.s32 $0x80  }
0x5: {  	s16 =	simm.s32 $0x2800;
	s17 =	simm.s32 $0x2A00;
	s18 =	simm.s32 $0x2880  }
0x6: {  	s19 =	simm.s32 $0x6A00;
	s20 =	simm.s32 $0x1;
	s21 =	simm.s32 $0x2900  }
0x7: {  	s23 =	simm.s32 $0x2980;
	s24 =	simm.s32 $0x0;
	s6 =	smul.u32 $0x500, s1  }
0x8: {  	s7 =	sand.u32 $0x1, s4;
	[smem:$0x7FF] =	sst s3;
	s8 =	smul.u32 $0x50000, s1  }
0x9: {  	s4 =	sadd.s32 $0xBE00, s5;
	s10 =	smul.u32 $0x280, s1;
	s11 =	sadd.s32 $0x5A000, s5  }
0xa: {  	s26 =	smul.u32 $0x14000, s1;
	s13 =	sadd.s32 $0x12C000, s2;
	p0 =	seq.s32 s1, $0xF  }
0xb: {  	s22 =	smul.u32 $0x2710, s7;
	_ =	strace $0x8000004A;
	s9 =	ssub.s32 $0x2, s7  }
0xc: {  	s7 =	smul.u32 $0x138800, s7;
	s6 =	sadd.s32 s6, s5;
	s25 =	sshrl.u32 s9, $0x1  }
0xd: {  	s8 =	sshrl.u32 s8, $0x2;
	s12 =	ssub.s32 s9, s25;
	s5 =	sadd.s32 $0x6E00, s6  }
0xe: {  	s14 =	sadd.s32 s8, s2;
	s28 =	sadd.s32 s10, s22;
	s29 =	sshrl.u32 s7, $0x3  }
0xf: {  	s7 =	sadd.s32 s26, s7;
	v0 =	vmov s22;
	s22 =	simm.s32 $0x2;
	s6 =	sshll.u32 s28, $0x4  }
0x10: {  	s30 =	sadd.s32 $0x25800, s29;
	s31 =	sshrl.u32 s7, $0x3;
	s10 =	smax.u32 s12, $0x1  }
0x11: {  	s12 =	sshrl.u32 @p0 s13, $0x3;
	s13 =	sshll.u32 @!p0 s1, $0x6;
	s14 =	sshrl.u32 @!p0 s14, $0x3  }
0x12: {  	s6 =	sadd.s32 s4, s6;
	s7 =	sadd.s32 s4, s30;
	s8 =	sadd.s32 s11, s31  }
0x13: {  	s9 =	sadd.s32 s11, s30;
	s11 =	simm.s32 $0x3;
	s13 =	sor.u32 @!p0 $0x1C03, s13  }
.LBB2_1:
0x14: {  	[tilespmem:s3], [sflag:$0x3] =	stream.linear.gather [hbm4b:s5+s3], $0x2800, $0x38;
	[tilespmem:$0x1EA00] =	vst v63  }
0x15: {  	_ =	swait.ge [sflag:s11], $0x2800  }
0x16: {  	[sflag:s11] =	ssyncset.done $0x0  }
0x17: {  	s25 =	simm.s32 @p0 $0x1FC3;
	[sflag:s11] =	ssyncadd.s32 $0xFFFFD800  }
0x18: {  	[spmem:s12], [sflag:s25] =	dma.local @p0 [hbm:s7], $0x1900  }
0x19: {  	s25 =	simm.s32 @p0 $0x3  }
0x1a: {  	_ =	swait.ge @p0 [sflag:s25], $0x1900  }
0x1b: {  	[sflag:s25] =	ssyncset.done @p0 $0x0  }
0x1c: {  	[sflag:s25] =	ssyncadd.s32 @p0 $0xFFFFE700;
	s25 =	simm.s32 @!p0 $0x3  }
0x1d: {  	[spmem:s14], [sflag:s13] =	dma.local @!p0 [hbm:s6], $0x2800  }
0x1e: {  	_ =	swait.ge @!p0 [sflag:s25], $0x2800  }
0x1f: {  	[sflag:s25] =	ssyncset.done @!p0 $0x0  }
0x20: {  	[sflag:s25] =	ssyncadd.s32 @!p0 $0xFFFFD800  }
0x21: {  	[bflag:$0x0] =	sbarrier.arrive $0xFFFF  }
0x22: {  	v1 =	vld [tilespmem:$0x0];
	_ =	sdelay $0x1  }
0x23: {  	v2 =	vld [tilespmem:$0x10];
	_ =	sdelay $0x1  }
0x24: {  	v3 =	vld [tilespmem:$0x20]  }
0x25: {  	v4 =	vshrl.u32 v1, $0x10;
	v1 =	vand.u32 $0xFFFF, v1  }
0x26: {  	v59 =	vld [tilespmem:$0x30];
	[tilespmem:$0x2900] =	vst v4;
	v1 =	vadd.s32 v0, v1  }
0x27: {  	[tilespmem:$0x2800] =	vst v1;
	v1 =	vshrl.u32 v2, $0x10;
	v2 =	vand.u32 $0xFFFF, v2  }
0x28: {  	[tilespmem:$0x2910] =	vst v1;
	v1 =	vadd.s32 v0, v2;
	v2 =	vld [tilespmem:$0x40]  }
0x29: {  	[tilespmem:$0x2810] =	vst v1;
	v1 =	vshrl.u32 v3, $0x10;
	v3 =	vand.u32 $0xFFFF, v3  }
0x2a: {  	[tilespmem:$0x2920] =	vst v1;
	v1 =	vadd.s32 v0, v3;
	v3 =	vld [tilespmem:$0x50]  }
0x2b: {  	v4 =	vand.u32 $0xFFFF, v59;
	[tilespmem:$0x2820] =	vst v1;
	v1 =	vshrl.u32 v59, $0x10  }
0x2c: {  	v60 =	vld [tilespmem:$0x60];
	[tilespmem:$0x2930] =	vst v1;
	v1 =	vadd.s32 v0, v4  }
0x2d: {  	[tilespmem:$0x2830] =	vst v1;
	v1 =	vshrl.u32 v2, $0x10;
	v2 =	vand.u32 $0xFFFF, v2  }
0x2e: {  	[tilespmem:$0x2940] =	vst v1;
	v1 =	vadd.s32 v0, v2;
	v2 =	vld [tilespmem:$0x70]  }
0x2f: {  	[tilespmem:$0x2840] =	vst v1;
	v1 =	vshrl.u32 v3, $0x10;
	v3 =	vand.u32 $0xFFFF, v3  }
0x30: {  	[tilespmem:$0x2950] =	vst v1;
	v1 =	vadd.s32 v0, v3  }
0x31: {  	v3 =	vand.u32 $0xFFFF, v60;
	[tilespmem:$0x2850] =	vst v1;
	v1 =	vshrl.u32 v60, $0x10  }
0x32: {  	[tilespmem:$0x2960] =	vst v1;
	v1 =	vadd.s32 v0, v3  }
0x33: {  	[tilespmem:$0x2860] =	vst v1;
	v1 =	vshrl.u32 v2, $0x10;
	v2 =	vand.u32 $0xFFFF, v2  }
0x34: {  	[tilespmem:$0x2970] =	vst v1;
	v1 =	vadd.s32 v0, v2  }
0x35: {  	[tilespmem:$0x2870] =	vst v1  }
0x36: {  	[tilespmem:s17], [sflag:$0x1] =	stream.indirect.gather [hbm4b:s4+s15], $0x80, s16, s15, $0xb8;
	[tilespmem:$0x1EA00] =	vst v63  }
0x37: {  	v1 =	vld [tilespmem:$0x80];
	_ =	sdelay $0x1  }
0x38: {  	v2 =	vld [tilespmem:$0x90];
	_ =	sdelay $0x1  }
0x39: {  	v3 =	vld [tilespmem:$0xA0]  }
0x3a: {  	v61 =	vshrl.u32 v1, $0x10;
	v1 =	vand.u32 $0xFFFF, v1  }
0x3b: {  	v62 =	vld [tilespmem:$0xB0];
	[tilespmem:$0x2980] =	vst v61;
	v1 =	vadd.s32 v0, v1  }
0x3c: {  	[tilespmem:$0x2880] =	vst v1;
	v1 =	vshrl.u32 v2, $0x10;
	v2 =	vand.u32 $0xFFFF, v2  }
0x3d: {  	[tilespmem:$0x2990] =	vst v1;
	v1 =	vadd.s32 v0, v2;
	v2 =	vld [tilespmem:$0xC0]  }
0x3e: {  	[tilespmem:$0x2890] =	vst v1;
	v1 =	vshrl.u32 v3, $0x10;
	v3 =	vand.u32 $0xFFFF, v3  }
0x3f: {  	[tilespmem:$0x29A0] =	vst v1;
	v1 =	vadd.s32 v0, v3;
	v3 =	vld [tilespmem:$0xD0]  }
0x40: {  	v4 =	vand.u32 $0xFFFF, v62;
	[tilespmem:$0x28A0] =	vst v1;
	v1 =	vshrl.u32 v62, $0x10  }
0x41: {  	v63 =	vld [tilespmem:$0xE0];
	[tilespmem:$0x29B0] =	vst v1;
	v1 =	vadd.s32 v0, v4  }
0x42: {  	[tilespmem:$0x28B0] =	vst v1;
	v1 =	vshrl.u32 v2, $0x10;
	v2 =	vand.u32 $0xFFFF, v2  }
0x43: {  	[tilespmem:$0x29C0] =	vst v1;
	v1 =	vadd.s32 v0, v2;
	v2 =	vld [tilespmem:$0xF0]  }
0x44: {  	[tilespmem:$0x28C0] =	vst v1;
	v1 =	vshrl.u32 v3, $0x10;
	v3 =	vand.u32 $0xFFFF, v3  }
0x45: {  	[tilespmem:$0x29D0] =	vst v1;
	v1 =	vadd.s32 v0, v3  }
0x46: {  	v3 =	vand.u32 $0xFFFF, v63;
	[tilespmem:$0x28D0] =	vst v1;
	v1 =	vshrl.u32 v63, $0x10  }
0x47: {  	[tilespmem:$0x29E0] =	vst v1;
	v1 =	vadd.s32 v0, v3  }
0x48: {  	[tilespmem:$0x28E0] =	vst v1;
	v1 =	vshrl.u32 v2, $0x10;
	v2 =	vand.u32 $0xFFFF, v2  }
0x49: {  	[tilespmem:$0x29F0] =	vst v1;
	v1 =	vadd.s32 v0, v2  }
0x4a: {  	[tilespmem:$0x28F0] =	vst v1  }
0x4b: {  	[tilespmem:s19], [sflag:$0x2] =	stream.indirect.gather [hbm4b:s4+s15], $0x80, s18, s15, $0xb8;
	[tilespmem:$0x1EA00] =	vst v63  }
0x4c: {  	_ =	swait.ge [sflag:s20], $0x4000  }
0x4d: {  	[sflag:s20] =	ssyncset.done $0x0  }
0x4e: {  	[sflag:s20] =	ssyncadd.s32 $0xFFFFC000  }
0x4f: {  	[spmem:s2] =	stream.indirect.scatter.add.f32 [tilespmem:s17], [sflag:$0x3], $0x80, s21, s15, $0xb8;
	[tilespmem:$0x1EA00] =	vst v63  }
0x50: {  	_ =	swait.ge [sflag:s11], $0x4000  }
0x51: {  	[sflag:s11] =	ssyncset.done $0x0  }
0x52: {  	s31 =	simm.s32 $0x1F0;
	[sflag:s11] =	ssyncadd.s32 $0xFFFFC000  }
0x53: {  	v1 =	vld [tilespmem:s31+$0xFFFFFF10];
	_ =	sdelay $0x4  }
0x54: {  	v2 =	vshrl.u32 v1, $0x10;
	v1 =	vand.u32 $0xFFFF, v1  }
0x55: {  	[tilespmem:$0x2900] =	vst v2;
	v1 =	vadd.s32 v0, v1  }
0x56: {  	[tilespmem:$0x2800] =	vst v1  }
0x57: {  	v1 =	vld [tilespmem:s31+$0xFFFFFF20];
	_ =	sdelay $0x4  }
0x58: {  	v2 =	vshrl.u32 v1, $0x10;
	v1 =	vand.u32 $0xFFFF, v1  }
0x59: {  	[tilespmem:$0x2910] =	vst v2;
	v1 =	vadd.s32 v0, v1  }
0x5a: {  	[tilespmem:$0x2810] =	vst v1  }
0x5b: {  	v1 =	vld [tilespmem:s31+$0xFFFFFF30];
	_ =	sdelay $0x4  }
0x5c: {  	v2 =	vshrl.u32 v1, $0x10;
	v1 =	vand.u32 $0xFFFF, v1  }
0x5d: {  	[tilespmem:$0x2920] =	vst v2;
	v1 =	vadd.s32 v0, v1  }
0x5e: {  	[tilespmem:$0x2820] =	vst v1  }
0x5f: {  	v1 =	vld [tilespmem:s31+$0xFFFFFF40];
	_ =	sdelay $0x4  }
0x60: {  	v2 =	vshrl.u32 v1, $0x10;
	v1 =	vand.u32 $0xFFFF, v1  }
0x61: {  	[tilespmem:$0x2930] =	vst v2;
	v1 =	vadd.s32 v0, v1  }
0x62: {  	[tilespmem:$0x2830] =	vst v1  }
0x63: {  	v1 =	vld [tilespmem:s31+$0xFFFFFF50];
	_ =	sdelay $0x4  }
0x64: {  	v2 =	vshrl.u32 v1, $0x10;
	v1 =	vand.u32 $0xFFFF, v1  }
0x65: {  	[tilespmem:$0x2940] =	vst v2;
	v1 =	vadd.s32 v0, v1  }
0x66: {  	[tilespmem:$0x2840] =	vst v1  }
0x67: {  	v1 =	vld [tilespmem:s31+$0xFFFFFF60];
	_ =	sdelay $0x4  }
0x68: {  	v2 =	vshrl.u32 v1, $0x10;
	v1 =	vand.u32 $0xFFFF, v1  }
0x69: {  	[tilespmem:$0x2950] =	vst v2;
	v1 =	vadd.s32 v0, v1  }
0x6a: {  	[tilespmem:$0x2850] =	vst v1  }
0x6b: {  	v1 =	vld [tilespmem:s31+$0xFFFFFF70];
	_ =	sdelay $0x4  }
0x6c: {  	v2 =	vshrl.u32 v1, $0x10;
	v1 =	vand.u32 $0xFFFF, v1  }
0x6d: {  	[tilespmem:$0x2960] =	vst v2;
	v1 =	vadd.s32 v0, v1  }
0x6e: {  	[tilespmem:$0x2860] =	vst v1  }
0x6f: {  	v1 =	vld [tilespmem:s31+$0xFFFFFF80];
	_ =	sdelay $0x4  }
0x70: {  	v2 =	vshrl.u32 v1, $0x10;
	v1 =	vand.u32 $0xFFFF, v1  }
0x71: {  	[tilespmem:$0x2970] =	vst v2;
	v1 =	vadd.s32 v0, v1  }
0x72: {  	[tilespmem:$0x2870] =	vst v1  }
0x73: {  	[tilespmem:s17], [sflag:$0x1] =	stream.indirect.gather [hbm4b:s4+s15], $0x80, s16, s15, $0xb8;
	[tilespmem:$0x1EA00] =	vst v63  }
0x74: {  	_ =	swait.ge [sflag:s22], $0x4000  }
0x75: {  	[sflag:s22] =	ssyncset.done $0x0  }
0x76: {  	[sflag:s22] =	ssyncadd.s32 $0xFFFFC000  }
0x77: {  	[spmem:s2] =	stream.indirect.scatter.add.f32 [tilespmem:s19], [sflag:$0x3], $0x80, s23, s15, $0xb8;
	[tilespmem:$0x1EA00] =	vst v63  }
0x78: {  	_ =	swait.ge [sflag:s11], $0x4000  }
0x79: {  	[sflag:s11] =	ssyncset.done $0x0  }
0x7a: {  	[sflag:s11] =	ssyncadd.s32 $0xFFFFC000  }
0x7b: {  	v1 =	vld [tilespmem:s31+$0xFFFFFF90];
	_ =	sdelay $0x4  }
0x7c: {  	v2 =	vshrl.u32 v1, $0x10;
	v1 =	vand.u32 $0xFFFF, v1  }
0x7d: {  	[tilespmem:$0x2980] =	vst v2;
	v1 =	vadd.s32 v0, v1  }
0x7e: {  	[tilespmem:$0x2880] =	vst v1  }
0x7f: {  	v1 =	vld [tilespmem:s31+$0xFFFFFFA0];
	_ =	sdelay $0x4  }
0x80: {  	v2 =	vshrl.u32 v1, $0x10;
	v1 =	vand.u32 $0xFFFF, v1  }
0x81: {  	[tilespmem:$0x2990] =	vst v2;
	v1 =	vadd.s32 v0, v1  }
0x82: {  	[tilespmem:$0x2890] =	vst v1  }
0x83: {  	v1 =	vld [tilespmem:s31+$0xFFFFFFB0];
	_ =	sdelay $0x4  }
0x84: {  	v2 =	vshrl.u32 v1, $0x10;
	v1 =	vand.u32 $0xFFFF, v1  }
0x85: {  	[tilespmem:$0x29A0] =	vst v2;
	v1 =	vadd.s32 v0, v1  }
0x86: {  	[tilespmem:$0x28A0] =	vst v1  }
0x87: {  	v1 =	vld [tilespmem:s31+$0xFFFFFFC0];
	_ =	sdelay $0x4  }
0x88: {  	v2 =	vshrl.u32 v1, $0x10;
	v1 =	vand.u32 $0xFFFF, v1  }
0x89: {  	[tilespmem:$0x29B0] =	vst v2;
	v1 =	vadd.s32 v0, v1  }
0x8a: {  	[tilespmem:$0x28B0] =	vst v1  }
0x8b: {  	v1 =	vld [tilespmem:s31+$0xFFFFFFD0];
	_ =	sdelay $0x4  }
0x8c: {  	v2 =	vshrl.u32 v1, $0x10;
	v1 =	vand.u32 $0xFFFF, v1  }
0x8d: {  	[tilespmem:$0x29C0] =	vst v2;
	v1 =	vadd.s32 v0, v1  }
0x8e: {  	[tilespmem:$0x28C0] =	vst v1  }
0x8f: {  	v1 =	vld [tilespmem:s31+$0xFFFFFFE0];
	_ =	sdelay $0x4  }
0x90: {  	v2 =	vshrl.u32 v1, $0x10;
	v1 =	vand.u32 $0xFFFF, v1  }
0x91: {  	[tilespmem:$0x29D0] =	vst v2;
	v1 =	vadd.s32 v0, v1  }
0x92: {  	[tilespmem:$0x28D0] =	vst v1  }
0x93: {  	v1 =	vld [tilespmem:s31+$0xFFFFFFF0];
	_ =	sdelay $0x4  }
0x94: {  	v2 =	vshrl.u32 v1, $0x10;
	v1 =	vand.u32 $0xFFFF, v1  }
0x95: {  	[tilespmem:$0x29E0] =	vst v2;
	v1 =	vadd.s32 v0, v1  }
0x96: {  	[tilespmem:$0x28E0] =	vst v1  }
0x97: {  	v1 =	vld [tilespmem:s31+$0x0];
	_ =	sdelay $0x4  }
0x98: {  	v2 =	vshrl.u32 v1, $0x10;
	v1 =	vand.u32 $0xFFFF, v1  }
0x99: {  	[tilespmem:$0x29F0] =	vst v2;
	v1 =	vadd.s32 v0, v1  }
0x9a: {  	[tilespmem:$0x28F0] =	vst v1  }
0x9b: {  	[tilespmem:s19], [sflag:$0x2] =	stream.indirect.gather [hbm4b:s4+s15], $0x80, s18, s15, $0xb8;
	[tilespmem:$0x1EA00] =	vst v63  }
0x9c: {  	_ =	swait.ge [sflag:s20], $0x4000  }
0x9d: {  	[sflag:s20] =	ssyncset.done $0x0  }
0x9e: {  	[sflag:s20] =	ssyncadd.s32 $0xFFFFC000  }
0x9f: {  	[spmem:s2] =	stream.indirect.scatter.add.f32 [tilespmem:s17], [sflag:$0x3], $0x80, s21, s15, $0xb8;
	[tilespmem:$0x1EA00] =	vst v63  }
0xa0: {  	_ =	swait.ge [sflag:s11], $0x4000  }
0xa1: {  	s29 =	simm.s32 $0xFC0;
	s25 =	simm.s32 $0xBC0;
	[sflag:s11] =	ssyncset.done $0x0  }
.LBB2_2:
0xa2: {  	s28 =	sshra.s32 s25, $0x2  }
0xa3: {  	[sflag:s11] =	ssyncadd.s32 $0xFFFFC000;
	s25 =	smov.u32 s29;
	s26 =	sadd.s32 $0x400, s29  }
0xa4: {  	p1 =	sne.s32 s29, $0x9FC0;
	v1 =	vld [tilespmem:s28+$0xFFFFFF10];
	_ =	sdelay $0x4  }
0xa5: {  	v2 =	vshrl.u32 v1, $0x10;
	v1 =	vand.u32 $0xFFFF, v1  }
0xa6: {  	[tilespmem:$0x2900] =	vst v2;
	v1 =	vadd.s32 v0, v1  }
0xa7: {  	[tilespmem:$0x2800] =	vst v1  }
0xa8: {  	v1 =	vld [tilespmem:s28+$0xFFFFFF20];
	_ =	sdelay $0x4  }
0xa9: {  	v2 =	vshrl.u32 v1, $0x10;
	v1 =	vand.u32 $0xFFFF, v1  }
0xaa: {  	[tilespmem:$0x2910] =	vst v2;
	v1 =	vadd.s32 v0, v1  }
0xab: {  	[tilespmem:$0x2810] =	vst v1  }
0xac: {  	v1 =	vld [tilespmem:s28+$0xFFFFFF30];
	_ =	sdelay $0x4  }
0xad: {  	v2 =	vshrl.u32 v1, $0x10;
	v1 =	vand.u32 $0xFFFF, v1  }
0xae: {  	[tilespmem:$0x2920] =	vst v2;
	v1 =	vadd.s32 v0, v1  }
0xaf: {  	[tilespmem:$0x2820] =	vst v1  }
0xb0: {  	v1 =	vld [tilespmem:s28+$0xFFFFFF40];
	_ =	sdelay $0x4  }
0xb1: {  	v2 =	vshrl.u32 v1, $0x10;
	v1 =	vand.u32 $0xFFFF, v1  }
0xb2: {  	[tilespmem:$0x2930] =	vst v2;
	v1 =	vadd.s32 v0, v1  }
0xb3: {  	[tilespmem:$0x2830] =	vst v1  }
0xb4: {  	v1 =	vld [tilespmem:s28+$0xFFFFFF50];
	_ =	sdelay $0x4  }
0xb5: {  	v2 =	vshrl.u32 v1, $0x10;
	v1 =	vand.u32 $0xFFFF, v1  }
0xb6: {  	[tilespmem:$0x2940] =	vst v2;
	v1 =	vadd.s32 v0, v1  }
0xb7: {  	[tilespmem:$0x2840] =	vst v1  }
0xb8: {  	v1 =	vld [tilespmem:s28+$0xFFFFFF60];
	_ =	sdelay $0x4  }
0xb9: {  	v2 =	vshrl.u32 v1, $0x10;
	v1 =	vand.u32 $0xFFFF, v1  }
0xba: {  	[tilespmem:$0x2950] =	vst v2;
	v1 =	vadd.s32 v0, v1  }
0xbb: {  	[tilespmem:$0x2850] =	vst v1  }
0xbc: {  	v1 =	vld [tilespmem:s28+$0xFFFFFF70];
	_ =	sdelay $0x4  }
0xbd: {  	v2 =	vshrl.u32 v1, $0x10;
	v1 =	vand.u32 $0xFFFF, v1  }
0xbe: {  	[tilespmem:$0x2960] =	vst v2;
	v1 =	vadd.s32 v0, v1  }
0xbf: {  	[tilespmem:$0x2860] =	vst v1  }
0xc0: {  	v1 =	vld [tilespmem:s28+$0xFFFFFF80];
	_ =	sdelay $0x4  }
0xc1: {  	v2 =	vshrl.u32 v1, $0x10;
	v1 =	vand.u32 $0xFFFF, v1  }
0xc2: {  	[tilespmem:$0x2970] =	vst v2;
	v1 =	vadd.s32 v0, v1  }
0xc3: {  	[tilespmem:$0x2870] =	vst v1  }
0xc4: {  	[tilespmem:s17], [sflag:$0x1] =	stream.indirect.gather [hbm4b:s4+s15], $0x80, s16, s15, $0xb8;
	[tilespmem:$0x1EA00] =	vst v63  }
0xc5: {  	_ =	swait.ge [sflag:s22], $0x4000  }
0xc6: {  	[sflag:s22] =	ssyncset.done $0x0  }
0xc7: {  	[sflag:s22] =	ssyncadd.s32 $0xFFFFC000  }
0xc8: {  	[spmem:s2] =	stream.indirect.scatter.add.f32 [tilespmem:s19], [sflag:$0x3], $0x80, s23, s15, $0xb8;
	[tilespmem:$0x1EA00] =	vst v63  }
0xc9: {  	_ =	swait.ge [sflag:s11], $0x4000  }
0xca: {  	[sflag:s11] =	ssyncset.done $0x0  }
0xcb: {  	[sflag:s11] =	ssyncadd.s32 $0xFFFFC000  }
0xcc: {  	v1 =	vld [tilespmem:s28+$0xFFFFFF90];
	_ =	sdelay $0x4  }
0xcd: {  	v2 =	vshrl.u32 v1, $0x10;
	v1 =	vand.u32 $0xFFFF, v1  }
0xce: {  	[tilespmem:$0x2980] =	vst v2;
	v1 =	vadd.s32 v0, v1  }
0xcf: {  	[tilespmem:$0x2880] =	vst v1  }
0xd0: {  	v1 =	vld [tilespmem:s28+$0xFFFFFFA0];
	_ =	sdelay $0x4  }
0xd1: {  	v2 =	vshrl.u32 v1, $0x10;
	v1 =	vand.u32 $0xFFFF, v1  }
0xd2: {  	[tilespmem:$0x2990] =	vst v2;
	v1 =	vadd.s32 v0, v1  }
0xd3: {  	[tilespmem:$0x2890] =	vst v1  }
0xd4: {  	v1 =	vld [tilespmem:s28+$0xFFFFFFB0];
	_ =	sdelay $0x4  }
0xd5: {  	v2 =	vshrl.u32 v1, $0x10;
	v1 =	vand.u32 $0xFFFF, v1  }
0xd6: {  	[tilespmem:$0x29A0] =	vst v2;
	v1 =	vadd.s32 v0, v1  }
0xd7: {  	[tilespmem:$0x28A0] =	vst v1  }
0xd8: {  	v1 =	vld [tilespmem:s28+$0xFFFFFFC0];
	_ =	sdelay $0x4  }
0xd9: {  	v2 =	vshrl.u32 v1, $0x10;
	v1 =	vand.u32 $0xFFFF, v1  }
0xda: {  	[tilespmem:$0x29B0] =	vst v2;
	v1 =	vadd.s32 v0, v1  }
0xdb: {  	[tilespmem:$0x28B0] =	vst v1  }
0xdc: {  	v1 =	vld [tilespmem:s28+$0xFFFFFFD0];
	_ =	sdelay $0x4  }
0xdd: {  	v2 =	vshrl.u32 v1, $0x10;
	v1 =	vand.u32 $0xFFFF, v1  }
0xde: {  	[tilespmem:$0x29C0] =	vst v2;
	v1 =	vadd.s32 v0, v1  }
0xdf: {  	[tilespmem:$0x28C0] =	vst v1  }
0xe0: {  	v1 =	vld [tilespmem:s28+$0xFFFFFFE0];
	_ =	sdelay $0x4  }
0xe1: {  	v2 =	vshrl.u32 v1, $0x10;
	v1 =	vand.u32 $0xFFFF, v1  }
0xe2: {  	[tilespmem:$0x29D0] =	vst v2;
	v1 =	vadd.s32 v0, v1  }
0xe3: {  	[tilespmem:$0x28D0] =	vst v1  }
0xe4: {  	v1 =	vld [tilespmem:s28+$0xFFFFFFF0];
	_ =	sdelay $0x4  }
0xe5: {  	v2 =	vshrl.u32 v1, $0x10;
	v1 =	vand.u32 $0xFFFF, v1  }
0xe6: {  	[tilespmem:$0x29E0] =	vst v2;
	v1 =	vadd.s32 v0, v1  }
0xe7: {  	[tilespmem:$0x28E0] =	vst v1  }
0xe8: {  	v1 =	vld [tilespmem:s28+$0x0];
	_ =	sdelay $0x4  }
0xe9: {  	v2 =	vshrl.u32 v1, $0x10;
	v1 =	vand.u32 $0xFFFF, v1  }
0xea: {  	[tilespmem:$0x29F0] =	vst v2;
	v1 =	vadd.s32 v0, v1  }
0xeb: {  	[tilespmem:$0x28F0] =	vst v1  }
0xec: {  	[tilespmem:s19], [sflag:$0x2] =	stream.indirect.gather [hbm4b:s4+s15], $0x80, s18, s15, $0xb8;
	[tilespmem:$0x1EA00] =	vst v63  }
0xed: {  	_ =	swait.ge [sflag:s20], $0x4000  }
.Ltmp0:
0xee: {  	[sflag:s20] =	ssyncset.done $0x0;
	(pc) =	sbr.rel @p1 .LBB2_2-.Ltmp0, $4  }
0xef: {  	[sflag:s20] =	ssyncadd.s32 $0xFFFFC000  }
0xf0: {  	[spmem:s2] =	stream.indirect.scatter.add.f32 [tilespmem:s17], [sflag:$0x3], $0x80, s21, s15, $0xb8;
	[tilespmem:$0x1EA00] =	vst v63  }
0xf1: {  	_ =	swait.ge [sflag:s11], $0x4000  }
0xf2: {  	s29 =	smov.u32 s26;
	[sflag:s11] =	ssyncset.done $0x0  }
0xf3: {  	s25 =	sshra.s32 s25, $0x2;
	[sflag:s11] =	ssyncadd.s32 $0xFFFFC000  }
0xf4: {  	v1 =	vld [tilespmem:s25+$0xFFFFFF10];
	_ =	sdelay $0x4  }
0xf5: {  	v2 =	vshrl.u32 v1, $0x10;
	v1 =	vand.u32 $0xFFFF, v1  }
0xf6: {  	[tilespmem:$0x2900] =	vst v2;
	v1 =	vadd.s32 v0, v1  }
0xf7: {  	[tilespmem:$0x2800] =	vst v1  }
0xf8: {  	v1 =	vld [tilespmem:s25+$0xFFFFFF20];
	_ =	sdelay $0x4  }
0xf9: {  	v2 =	vshrl.u32 v1, $0x10;
	v1 =	vand.u32 $0xFFFF, v1  }
0xfa: {  	[tilespmem:$0x2910] =	vst v2;
	v1 =	vadd.s32 v0, v1  }
0xfb: {  	[tilespmem:$0x2810] =	vst v1  }
0xfc: {  	v1 =	vld [tilespmem:s25+$0xFFFFFF30];
	_ =	sdelay $0x4  }
0xfd: {  	v2 =	vshrl.u32 v1, $0x10;
	v1 =	vand.u32 $0xFFFF, v1  }
0xfe: {  	[tilespmem:$0x2920] =	vst v2;
	v1 =	vadd.s32 v0, v1  }
0xff: {  	[tilespmem:$0x2820] =	vst v1  }
0x100: {  	v1 =	vld [tilespmem:s25+$0xFFFFFF40];
	_ =	sdelay $0x4  }
0x101: {  	v2 =	vshrl.u32 v1, $0x10;
	v1 =	vand.u32 $0xFFFF, v1  }
0x102: {  	[tilespmem:$0x2930] =	vst v2;
	v1 =	vadd.s32 v0, v1  }
0x103: {  	[tilespmem:$0x2830] =	vst v1  }
0x104: {  	v1 =	vld [tilespmem:s25+$0xFFFFFF50];
	_ =	sdelay $0x4  }
0x105: {  	v2 =	vshrl.u32 v1, $0x10;
	v1 =	vand.u32 $0xFFFF, v1  }
0x106: {  	[tilespmem:$0x2940] =	vst v2;
	v1 =	vadd.s32 v0, v1  }
0x107: {  	[tilespmem:$0x2840] =	vst v1  }
0x108: {  	v1 =	vld [tilespmem:s25+$0xFFFFFF60];
	_ =	sdelay $0x4  }
0x109: {  	v2 =	vshrl.u32 v1, $0x10;
	v1 =	vand.u32 $0xFFFF, v1  }
0x10a: {  	[tilespmem:$0x2950] =	vst v2;
	v1 =	vadd.s32 v0, v1  }
0x10b: {  	[tilespmem:$0x2850] =	vst v1  }
0x10c: {  	v1 =	vld [tilespmem:s25+$0xFFFFFF70];
	_ =	sdelay $0x4  }
0x10d: {  	v2 =	vshrl.u32 v1, $0x10;
	v1 =	vand.u32 $0xFFFF, v1  }
0x10e: {  	[tilespmem:$0x2960] =	vst v2;
	v1 =	vadd.s32 v0, v1  }
0x10f: {  	[tilespmem:$0x2860] =	vst v1  }
0x110: {  	v1 =	vld [tilespmem:s25+$0xFFFFFF80];
	_ =	sdelay $0x4  }
0x111: {  	v2 =	vshrl.u32 v1, $0x10;
	v1 =	vand.u32 $0xFFFF, v1  }
0x112: {  	[tilespmem:$0x2970] =	vst v2;
	v1 =	vadd.s32 v0, v1  }
0x113: {  	[tilespmem:$0x2870] =	vst v1  }
0x114: {  	[tilespmem:s17], [sflag:$0x1] =	stream.indirect.gather [hbm4b:s4+s15], $0x80, s16, s15, $0xb8;
	[tilespmem:$0x1EA00] =	vst v63  }
0x115: {  	_ =	swait.ge [sflag:s22], $0x4000  }
0x116: {  	[sflag:s22] =	ssyncset.done $0x0  }
0x117: {  	[sflag:s22] =	ssyncadd.s32 $0xFFFFC000  }
0x118: {  	[spmem:s2] =	stream.indirect.scatter.add.f32 [tilespmem:s19], [sflag:$0x3], $0x80, s23, s15, $0xb8;
	[tilespmem:$0x1EA00] =	vst v63  }
0x119: {  	_ =	swait.ge [sflag:s11], $0x4000  }
0x11a: {  	[sflag:s11] =	ssyncset.done $0x0  }
0x11b: {  	[sflag:s11] =	ssyncadd.s32 $0xFFFFC000  }
0x11c: {  	v1 =	vld [tilespmem:s25+$0xFFFFFF90];
	_ =	sdelay $0x4  }
0x11d: {  	v2 =	vshrl.u32 v1, $0x10;
	v1 =	vand.u32 $0xFFFF, v1  }
0x11e: {  	[tilespmem:$0x2980] =	vst v2;
	v1 =	vadd.s32 v0, v1  }
0x11f: {  	[tilespmem:$0x2880] =	vst v1  }
0x120: {  	v1 =	vld [tilespmem:s25+$0xFFFFFFA0];
	_ =	sdelay $0x4  }
0x121: {  	v2 =	vshrl.u32 v1, $0x10;
	v1 =	vand.u32 $0xFFFF, v1  }
0x122: {  	[tilespmem:$0x2990] =	vst v2;
	v1 =	vadd.s32 v0, v1  }
0x123: {  	[tilespmem:$0x2890] =	vst v1  }
0x124: {  	v1 =	vld [tilespmem:s25+$0xFFFFFFB0];
	_ =	sdelay $0x4  }
0x125: {  	v2 =	vshrl.u32 v1, $0x10;
	v1 =	vand.u32 $0xFFFF, v1  }
0x126: {  	[tilespmem:$0x29A0] =	vst v2;
	v1 =	vadd.s32 v0, v1  }
0x127: {  	[tilespmem:$0x28A0] =	vst v1  }
0x128: {  	v1 =	vld [tilespmem:s25+$0xFFFFFFC0];
	_ =	sdelay $0x4  }
0x129: {  	v2 =	vshrl.u32 v1, $0x10;
	v1 =	vand.u32 $0xFFFF, v1  }
0x12a: {  	[tilespmem:$0x29B0] =	vst v2;
	v1 =	vadd.s32 v0, v1  }
0x12b: {  	[tilespmem:$0x28B0] =	vst v1  }
0x12c: {  	v1 =	vld [tilespmem:s25+$0xFFFFFFD0];
	_ =	sdelay $0x4  }
0x12d: {  	v2 =	vshrl.u32 v1, $0x10;
	v1 =	vand.u32 $0xFFFF, v1  }
0x12e: {  	[tilespmem:$0x29C0] =	vst v2;
	v1 =	vadd.s32 v0, v1  }
0x12f: {  	[tilespmem:$0x28C0] =	vst v1  }
0x130: {  	v1 =	vld [tilespmem:s25+$0xFFFFFFE0];
	_ =	sdelay $0x4  }
0x131: {  	v2 =	vshrl.u32 v1, $0x10;
	v1 =	vand.u32 $0xFFFF, v1  }
0x132: {  	[tilespmem:$0x29D0] =	vst v2;
	v1 =	vadd.s32 v0, v1  }
0x133: {  	[tilespmem:$0x28D0] =	vst v1  }
0x134: {  	v1 =	vld [tilespmem:s25+$0xFFFFFFF0];
	_ =	sdelay $0x4  }
0x135: {  	v2 =	vshrl.u32 v1, $0x10;
	v1 =	vand.u32 $0xFFFF, v1  }
0x136: {  	[tilespmem:$0x29E0] =	vst v2;
	v1 =	vadd.s32 v0, v1  }
0x137: {  	[tilespmem:$0x28E0] =	vst v1  }
0x138: {  	v1 =	vld [tilespmem:s25+$0x0];
	_ =	sdelay $0x4  }
0x139: {  	v2 =	vshrl.u32 v1, $0x10;
	v1 =	vand.u32 $0xFFFF, v1  }
0x13a: {  	[tilespmem:$0x29F0] =	vst v2;
	v1 =	vadd.s32 v0, v1  }
0x13b: {  	[tilespmem:$0x28F0] =	vst v1  }
0x13c: {  	[tilespmem:s19], [sflag:$0x2] =	stream.indirect.gather [hbm4b:s4+s15], $0x80, s18, s15, $0xb8;
	[tilespmem:$0x1EA00] =	vst v63  }
0x13d: {  	_ =	swait.ge [sflag:s20], $0x4000  }
0x13e: {  	[sflag:s20] =	ssyncset.done $0x0  }
0x13f: {  	[sflag:s20] =	ssyncadd.s32 $0xFFFFC000  }
0x140: {  	[spmem:s2] =	stream.indirect.scatter.add.f32 [tilespmem:s17], [sflag:$0x3], $0x80, s21, s15, $0xb8;
	[tilespmem:$0x1EA00] =	vst v63  }
0x141: {  	_ =	swait.ge [sflag:s11], $0x4000  }
0x142: {  	[sflag:s11] =	ssyncset.done $0x0  }
0x143: {  	[sflag:s11] =	ssyncadd.s32 $0xFFFFC000  }
0x144: {  	_ =	swait.ge [sflag:s22], $0x4000  }
0x145: {  	[sflag:s22] =	ssyncset.done $0x0  }
0x146: {  	[sflag:s22] =	ssyncadd.s32 $0xFFFFC000  }
0x147: {  	[spmem:s2] =	stream.indirect.scatter.add.f32 [tilespmem:s19], [sflag:$0x3], $0x80, s23, s15, $0xb8;
	[tilespmem:$0x1EA00] =	vst v63  }
0x148: {  	_ =	swait.ge [sflag:s11], $0x4000  }
0x149: {  	[sflag:s11] =	ssyncset.done $0x0  }
0x14a: {  	[sflag:s11] =	ssyncadd.s32 $0xFFFFC000  }
0x14b: {  	s25 =	simm.s32 @p0 $0x1FC3;
	[bflag:$0x0] =	sbarrier.arrive $0xFFFF  }
0x14c: {  	[hbm:s9], [sflag:s25] =	dma.local @p0 [spmem:s12], $0x1900  }
0x14d: {  	s25 =	simm.s32 @p0 $0x3  }
0x14e: {  	s24 =	sadd.s32 $0x1, s24;
	_ =	swait.ge @p0 [sflag:s25], $0x1900  }
0x14f: {  	p1 =	sne.s32 s24, s10;
	[sflag:s25] =	ssyncset.done @p0 $0x0  }
.Ltmp1:
0x150: {  	[sflag:s25] =	ssyncadd.s32 @p0 $0xFFFFE700;
	s25 =	simm.s32 @!p0 $0x3;
	(pc) =	sbr.rel @p1 .LBB2_1-.Ltmp1, $4  }
0x151: {  	[hbm:s8], [sflag:s13] =	dma.local @!p0 [spmem:s14], $0x2800  }
0x152: {  	_ =	swait.ge @!p0 [sflag:s25], $0x2800  }
0x153: {  	[sflag:s25] =	ssyncset.done @!p0 $0x0  }
0x154: {  	[sflag:s25] =	ssyncadd.s32 @!p0 $0xFFFFD800  }
0x155: {  	_ =	sfence.sel $0x180000  }
0x156: {  	[bflag:$0x0] =	sbarrier.arrive $0xFFFF  }
0x157: {  	p0 =	sne.s32 s1, $0x0;
	_ =	strace $0x9000004A  }
0x158: {  	s0 =	sadd.s32 @!p0 $0x100000, s0;
	[bflag:$0x2] =	sbarrier.arrive $0xFFFF  }
0x159: {  	[sflag:s0] =	ssyncadd.tile.s32 @!p0 $0x1;
	_ =	shalt  }
.Lfunc_end2:
_tile_overlayer_lowered:
.L_overlay_start_2:
0x15a: {  	(tag) =	ssettag $0x2  }
0x15b: {  	s0 =	rddreg [dreg:$0x0];
	s2 =	stileid.u32  }
0x15c: {  	s1 =	rddreg [dreg:$0x1];
	p0 =	sne.s32 s2, $0x0  }
0x15d: {  	s3 =	rddreg [dreg:$0x2];
	[bflag:$0x3] =	sbarrier.arrive $0xFFFF;
	s2 =	simm.s32 @!p0 $0x1C03  }
0x15e: {  	[timem:s3], [sflag:s2] =	dma.local @!p0 [hbm:s0], s1  }
0x15f: {  	s0 =	simm.s32 @!p0 $0x3  }
0x160: {  	_ =	swait.ge @!p0 [sflag:s0], s1  }
0x161: {  	s1 =	ssub.s32 @!p0 $0x0, s1;
	[sflag:s0] =	ssyncset.done @!p0 $0x0  }
0x162: {  	[sflag:s0] =	ssyncadd.s32 @!p0 s1  }
0x163: {  	[bflag:$0x3] =	sbarrier.arrive $0xFFFF  }
0x164: {  	_ =	shalt  }

</sc_bundles>
